<compile_context>
chip_gen: v7x
topology: tpu7x:2x2x1
jax: 0.10.2.dev20260603
libtpu: 0.0.44.dev20260713+nightly
codegen_flags: <defaults>
</compile_context>

<pallas_src>
import functools

import jax
import jax.numpy as jnp
from jax import lax
from jax.experimental import pallas as pl
from jax.experimental.pallas import tpu as pltpu
from jax.experimental.pallas import tpu_sc as plsc

EMBEDDING_DIM = 64


@functools.cache
def _make_flatten(T: int, B0: int):
    n_workers = 32
    bw = B0 // n_workers
    mesh = plsc.VectorSubcoreMesh(core_axis_name="c", subcore_axis_name="s")

    @functools.partial(
        pl.kernel,
        mesh=mesh,
        compiler_params=pltpu.CompilerParams(needs_layout_passes=False),
        out_type=jax.ShapeDtypeStruct((T * B0,), jnp.int32),
        scratch_types=[
            pltpu.VMEM((T, bw), jnp.int32),
            pltpu.VMEM((T * bw,), jnp.int32),
        ],
    )
    def k(xt_hbm, flat_hbm, inb, outb):
        wid = lax.axis_index("s") * 2 + lax.axis_index("c")
        col0 = wid * bw
        pltpu.sync_copy(xt_hbm.at[:, pl.ds(col0, bw)], inb)

        iota = lax.iota(jnp.int32, 16)

        def tbody(t, carry):
            for g in range(bw // 16):
                v = inb[t, pl.ds(g * 16, 16)]
                addr = (iota + g * 16) * T + t
                plsc.store_scatter(outb, [addr], v)
            return carry

        lax.fori_loop(0, T, tbody, 0)
        pltpu.sync_copy(outb, flat_hbm.at[pl.ds(col0 * T, bw * T)])

    return k


@functools.cache
def _make_sc_gather(B: int, D: int, n_workers: int, chunk: int, nbuf: int):
    b_per_w = B // n_workers
    n_chunks = b_per_w // chunk
    n_rounds = (n_chunks + nbuf - 1) // nbuf
    mesh = plsc.VectorSubcoreMesh(core_axis_name="c", subcore_axis_name="s")

    @functools.partial(
        pl.kernel,
        mesh=mesh,
        compiler_params=pltpu.CompilerParams(use_tc_tiling_on_sc=False),
        out_type=jax.ShapeDtypeStruct((B, D), jnp.float32),
        scratch_types=[
            pltpu.VMEM((b_per_w,), jnp.int32),
            pltpu.VMEM((nbuf, chunk, D), jnp.float32),
            pltpu.SemaphoreType.DMA((nbuf,)),
            pltpu.SemaphoreType.DMA((nbuf,)),
        ],
    )
    def k(table_hbm, idx_hbm, out_hbm, idx_v, rows_v, gsem, osem):
        wid = lax.axis_index("s") * 2 + lax.axis_index("c")
        base0 = wid * b_per_w
        pltpu.sync_copy(idx_hbm.at[pl.ds(base0, b_per_w)], idx_v)

        def gather(i, b):
            off = pl.multiple_of(i * chunk, chunk)
            return pltpu.make_async_copy(
                table_hbm.at[idx_v.at[pl.ds(off, chunk)]], rows_v.at[b],
                gsem.at[b]
            )

        def write(i, b):
            off = pl.multiple_of(base0 + i * chunk, chunk)
            return pltpu.make_async_copy(
                rows_v.at[b], out_hbm.at[pl.ds(off, chunk)], osem.at[b]
            )

        for b in range(nbuf):
            gather(b, b).start()

        def round_body(r, carry):
            for b in range(nbuf):
                i = r * nbuf + b

                @pl.when(i < n_chunks)
                def _():
                    gather(i, b).wait()
                    write(i, b).start()
                    nxt = i + nbuf

                    @pl.when(nxt < n_chunks)
                    def _():
                        write(i, b).wait()
                        gather(nxt, b).start()

            return carry

        lax.fori_loop(0, n_rounds, round_body, 0)

        for b in range(nbuf):
            last_i = ((n_chunks - 1 - b) // nbuf) * nbuf + b
            write(last_i, b).wait()

    return k


def kernel(x, W):
    B0, T = x.shape
    B = B0 * T
    xt = x.T.astype(jnp.int32)
    flat_idx = _make_flatten(T, B0)(xt)
    gather = _make_sc_gather(B, EMBEDDING_DIM, 32, 512, 3)
    out = gather(W, flat_idx)
    return out.reshape(B0, T, EMBEDDING_DIM)

# --- scband reference (transcript-rebuilt; emitter-appended) ---
"""Pipeline reference for scband-my-embedding-8899172237931 (READ-ONLY COPY).

The authoritative reference and input builder live on the scoring server;
editing this copy changes nothing except your own understanding.
"""

import jax, jax.numpy as jnp
import numpy as np

NUM_EMBEDDINGS = 1000000
EMBEDDING_DIM = 64
BATCH = 16384
HIST_LEN = 50

def setup_inputs(seed: int = 0) -> dict:
    key = jax.random.key(seed)
    k1, k2 = jax.random.split(key)
    x = jax.random.randint(k1, (BATCH, HIST_LEN), 0, NUM_EMBEDDINGS, dtype=jnp.int64 if jax.config.jax_enable_x64 else jnp.int32)
    W = jax.random.truncated_normal(k2, -3.0, 3.0, (NUM_EMBEDDINGS, EMBEDDING_DIM), dtype=jnp.float32)
    return {"x": x, "W": W}

def reference(x, W):
    # Faithful translation of MyEmbedding.forward: output = self.W[x]
    output = jnp.take(W, x, axis=0)
    return output

if __name__ == "__main__":
    import jax
    _d = setup_inputs()
    print(jax.jit(kernel)(*tuple(_d.values())))

</pallas_src>

<mosaic_0001>
#map = affine_map<(d0, d1) -> (0, 0)>
#map1 = affine_map<(d0, d1) -> (0)>
module attributes {stable_mosaic.version = 14 : i64} {
  func.func @k(%arg0: i32, %arg1: i32, %arg2: memref<50x16384xi32, #tpu.memory_space<hbm>>, %arg3: memref<819200xi32, #tpu.memory_space<hbm>>, %arg4: memref<50x512xi32, #tpu.memory_space<vmem>>, %arg5: memref<25600xi32, #tpu.memory_space<vmem>>) attributes {dimension_semantics = [#tpu.dimension_semantics<core_parallel>, #tpu.dimension_semantics<subcore_parallel>], iteration_bounds = array<i64: 2, 16>, scalar_prefetch = 0 : i64, scratch_operands = 2 : i64, tpu.core_type = #tpu.core_type<sc_vector_subcore>, window_params = [{transform_indices = #map}, {transform_indices = #map1}]} {
    %mul3A = arith.constant 2 : i32
    %mul3A_0 = arith.muli %arg1, %mul3A : i32
    %add3A = arith.addi %mul3A_0, %arg0 : i32
    %mul3A_1 = arith.constant 512 : i32
    %mul3A_2 = arith.muli %add3A, %mul3A_1 : i32
    "tpu.region"() ({
      %run_scoped3A = tpu.sem_alloc : memref<!tpu.dma_semaphore, #tpu.memory_space<semaphore_mem>>
      %dma_start3A = arith.constant 0 : i32
      %dma_start3A_10 = tpu.memref_slice %arg2[%dma_start3A, %mul3A_2] : memref<50x16384xi32, #tpu.memory_space<hbm>> -> memref<50x512xi32, #tpu.memory_space<hbm>>
      %dma_start3A_11 = arith.constant 0 : i32
      %dma_start3A_12 = tpu.memref_slice %arg2[%dma_start3A_11, %mul3A_2] : memref<50x16384xi32, #tpu.memory_space<hbm>> -> memref<50x512xi32, #tpu.memory_space<hbm>>
      tpu.enqueue_dma source(%dma_start3A_12 : memref<50x512xi32, #tpu.memory_space<hbm>>) target(%arg4 : memref<50x512xi32, #tpu.memory_space<vmem>>) target_semaphore(%run_scoped3A : memref<!tpu.dma_semaphore, #tpu.memory_space<semaphore_mem>>)
      %dma_wait3A = arith.constant 0 : i32
      %dma_wait3A_13 = tpu.memref_slice %arg2[%dma_wait3A, %mul3A_2] : memref<50x16384xi32, #tpu.memory_space<hbm>> -> memref<50x512xi32, #tpu.memory_space<hbm>>
      %dma_wait3A_14 = arith.constant 0 : i32
      %dma_wait3A_15 = tpu.memref_slice %arg2[%dma_wait3A_14, %mul3A_2] : memref<50x16384xi32, #tpu.memory_space<hbm>> -> memref<50x512xi32, #tpu.memory_space<hbm>>
      tpu.wait_dma2 semaphore(%run_scoped3A : memref<!tpu.dma_semaphore, #tpu.memory_space<semaphore_mem>>) src(%dma_wait3A_15 : memref<50x512xi32, #tpu.memory_space<hbm>>) dst(%arg4 : memref<50x512xi32, #tpu.memory_space<vmem>>)
      tpu.yield
    }) : () -> ()
    %iota3A = tpu.iota {dimensions = array<i32: 0>} : vector<16xi32>
    %scan3A = arith.constant 0 : i32
    %scan3A_3 = arith.constant 0 : i32
    %scan3A_4 = arith.constant 50 : i32
    %scan3A_5 = arith.addi %scan3A_3, %scan3A_4 : i32
    %scan3A_6 = arith.constant 1 : i32
    scf.for %scan3A_10 = %scan3A_3 to %scan3A_5 step %scan3A_6  : i32 {
      %get3A = arith.index_cast %scan3A_10 : i32 to index
      %get3A_11 = arith.constant 0 : index
      %get3A_12 = tpu.vector_load %arg4[%get3A, %get3A_11] {strides = array<i32>} : memref<50x512xi32, #tpu.memory_space<vmem>>, vector<16xi32>,
      %add3A_13 = arith.constant 0 : i32
      %add3A_14 = vector.broadcast %add3A_13 : i32 to vector<16xi32>
      %add3A_15 = arith.addi %iota3A, %add3A_14 : vector<16xi32>
      %mul3A_16 = arith.constant 50 : i32
      %mul3A_17 = vector.broadcast %mul3A_16 : i32 to vector<16xi32>
      %mul3A_18 = arith.muli %add3A_15, %mul3A_17 : vector<16xi32>
      %add3A_19 = vector.broadcast %scan3A_10 : i32 to vector<16xi32>
      %add3A_20 = arith.addi %mul3A_18, %add3A_19 : vector<16xi32>
      tpu.vector_store_idx %arg5[%add3A_20], %get3A_12 : memref<25600xi32, #tpu.memory_space<vmem>>[vector<16xi32>], vector<16xi32>,
      %get3A_21 = arith.index_cast %scan3A_10 : i32 to index
      %get3A_22 = arith.constant 16 : index
      %get3A_23 = tpu.vector_load %arg4[%get3A_21, %get3A_22] {strides = array<i32>} : memref<50x512xi32, #tpu.memory_space<vmem>>, vector<16xi32>,
      %add3A_24 = arith.constant 16 : i32
      %add3A_25 = vector.broadcast %add3A_24 : i32 to vector<16xi32>
      %add3A_26 = arith.addi %iota3A, %add3A_25 : vector<16xi32>
      %mul3A_27 = arith.constant 50 : i32
      %mul3A_28 = vector.broadcast %mul3A_27 : i32 to vector<16xi32>
      %mul3A_29 = arith.muli %add3A_26, %mul3A_28 : vector<16xi32>
      %add3A_30 = vector.broadcast %scan3A_10 : i32 to vector<16xi32>
      %add3A_31 = arith.addi %mul3A_29, %add3A_30 : vector<16xi32>
      tpu.vector_store_idx %arg5[%add3A_31], %get3A_23 : memref<25600xi32, #tpu.memory_space<vmem>>[vector<16xi32>], vector<16xi32>,
      %get3A_32 = arith.index_cast %scan3A_10 : i32 to index
      %get3A_33 = arith.constant 32 : index
      %get3A_34 = tpu.vector_load %arg4[%get3A_32, %get3A_33] {strides = array<i32>} : memref<50x512xi32, #tpu.memory_space<vmem>>, vector<16xi32>,
      %add3A_35 = arith.constant 32 : i32
      %add3A_36 = vector.broadcast %add3A_35 : i32 to vector<16xi32>
      %add3A_37 = arith.addi %iota3A, %add3A_36 : vector<16xi32>
      %mul3A_38 = arith.constant 50 : i32
      %mul3A_39 = vector.broadcast %mul3A_38 : i32 to vector<16xi32>
      %mul3A_40 = arith.muli %add3A_37, %mul3A_39 : vector<16xi32>
      %add3A_41 = vector.broadcast %scan3A_10 : i32 to vector<16xi32>
      %add3A_42 = arith.addi %mul3A_40, %add3A_41 : vector<16xi32>
      tpu.vector_store_idx %arg5[%add3A_42], %get3A_34 : memref<25600xi32, #tpu.memory_space<vmem>>[vector<16xi32>], vector<16xi32>,
      %get3A_43 = arith.index_cast %scan3A_10 : i32 to index
      %get3A_44 = arith.constant 48 : index
      %get3A_45 = tpu.vector_load %arg4[%get3A_43, %get3A_44] {strides = array<i32>} : memref<50x512xi32, #tpu.memory_space<vmem>>, vector<16xi32>,
      %add3A_46 = arith.constant 48 : i32
      %add3A_47 = vector.broadcast %add3A_46 : i32 to vector<16xi32>
      %add3A_48 = arith.addi %iota3A, %add3A_47 : vector<16xi32>
      %mul3A_49 = arith.constant 50 : i32
      %mul3A_50 = vector.broadcast %mul3A_49 : i32 to vector<16xi32>
      %mul3A_51 = arith.muli %add3A_48, %mul3A_50 : vector<16xi32>
      %add3A_52 = vector.broadcast %scan3A_10 : i32 to vector<16xi32>
      %add3A_53 = arith.addi %mul3A_51, %add3A_52 : vector<16xi32>
      tpu.vector_store_idx %arg5[%add3A_53], %get3A_45 : memref<25600xi32, #tpu.memory_space<vmem>>[vector<16xi32>], vector<16xi32>,
      %get3A_54 = arith.index_cast %scan3A_10 : i32 to index
      %get3A_55 = arith.constant 64 : index
      %get3A_56 = tpu.vector_load %arg4[%get3A_54, %get3A_55] {strides = array<i32>} : memref<50x512xi32, #tpu.memory_space<vmem>>, vector<16xi32>,
      %add3A_57 = arith.constant 64 : i32
      %add3A_58 = vector.broadcast %add3A_57 : i32 to vector<16xi32>
      %add3A_59 = arith.addi %iota3A, %add3A_58 : vector<16xi32>
      %mul3A_60 = arith.constant 50 : i32
      %mul3A_61 = vector.broadcast %mul3A_60 : i32 to vector<16xi32>
      %mul3A_62 = arith.muli %add3A_59, %mul3A_61 : vector<16xi32>
      %add3A_63 = vector.broadcast %scan3A_10 : i32 to vector<16xi32>
      %add3A_64 = arith.addi %mul3A_62, %add3A_63 : vector<16xi32>
      tpu.vector_store_idx %arg5[%add3A_64], %get3A_56 : memref<25600xi32, #tpu.memory_space<vmem>>[vector<16xi32>], vector<16xi32>,
      %get3A_65 = arith.index_cast %scan3A_10 : i32 to index
      %get3A_66 = arith.constant 80 : index
      %get3A_67 = tpu.vector_load %arg4[%get3A_65, %get3A_66] {strides = array<i32>} : memref<50x512xi32, #tpu.memory_space<vmem>>, vector<16xi32>,
      %add3A_68 = arith.constant 80 : i32
      %add3A_69 = vector.broadcast %add3A_68 : i32 to vector<16xi32>
      %add3A_70 = arith.addi %iota3A, %add3A_69 : vector<16xi32>
      %mul3A_71 = arith.constant 50 : i32
      %mul3A_72 = vector.broadcast %mul3A_71 : i32 to vector<16xi32>
      %mul3A_73 = arith.muli %add3A_70, %mul3A_72 : vector<16xi32>
      %add3A_74 = vector.broadcast %scan3A_10 : i32 to vector<16xi32>
      %add3A_75 = arith.addi %mul3A_73, %add3A_74 : vector<16xi32>
      tpu.vector_store_idx %arg5[%add3A_75], %get3A_67 : memref<25600xi32, #tpu.memory_space<vmem>>[vector<16xi32>], vector<16xi32>,
      %get3A_76 = arith.index_cast %scan3A_10 : i32 to index
      %get3A_77 = arith.constant 96 : index
      %get3A_78 = tpu.vector_load %arg4[%get3A_76, %get3A_77] {strides = array<i32>} : memref<50x512xi32, #tpu.memory_space<vmem>>, vector<16xi32>,
      %add3A_79 = arith.constant 96 : i32
      %add3A_80 = vector.broadcast %add3A_79 : i32 to vector<16xi32>
      %add3A_81 = arith.addi %iota3A, %add3A_80 : vector<16xi32>
      %mul3A_82 = arith.constant 50 : i32
      %mul3A_83 = vector.broadcast %mul3A_82 : i32 to vector<16xi32>
      %mul3A_84 = arith.muli %add3A_81, %mul3A_83 : vector<16xi32>
      %add3A_85 = vector.broadcast %scan3A_10 : i32 to vector<16xi32>
      %add3A_86 = arith.addi %mul3A_84, %add3A_85 : vector<16xi32>
      tpu.vector_store_idx %arg5[%add3A_86], %get3A_78 : memref<25600xi32, #tpu.memory_space<vmem>>[vector<16xi32>], vector<16xi32>,
      %get3A_87 = arith.index_cast %scan3A_10 : i32 to index
      %get3A_88 = arith.constant 112 : index
      %get3A_89 = tpu.vector_load %arg4[%get3A_87, %get3A_88] {strides = array<i32>} : memref<50x512xi32, #tpu.memory_space<vmem>>, vector<16xi32>,
      %add3A_90 = arith.constant 112 : i32
      %add3A_91 = vector.broadcast %add3A_90 : i32 to vector<16xi32>
      %add3A_92 = arith.addi %iota3A, %add3A_91 : vector<16xi32>
      %mul3A_93 = arith.constant 50 : i32
      %mul3A_94 = vector.broadcast %mul3A_93 : i32 to vector<16xi32>
      %mul3A_95 = arith.muli %add3A_92, %mul3A_94 : vector<16xi32>
      %add3A_96 = vector.broadcast %scan3A_10 : i32 to vector<16xi32>
      %add3A_97 = arith.addi %mul3A_95, %add3A_96 : vector<16xi32>
      tpu.vector_store_idx %arg5[%add3A_97], %get3A_89 : memref<25600xi32, #tpu.memory_space<vmem>>[vector<16xi32>], vector<16xi32>,
      %get3A_98 = arith.index_cast %scan3A_10 : i32 to index
      %get3A_99 = arith.constant 128 : index
      %get3A_100 = tpu.vector_load %arg4[%get3A_98, %get3A_99] {strides = array<i32>} : memref<50x512xi32, #tpu.memory_space<vmem>>, vector<16xi32>,
      %add3A_101 = arith.constant 128 : i32
      %add3A_102 = vector.broadcast %add3A_101 : i32 to vector<16xi32>
      %add3A_103 = arith.addi %iota3A, %add3A_102 : vector<16xi32>
      %mul3A_104 = arith.constant 50 : i32
      %mul3A_105 = vector.broadcast %mul3A_104 : i32 to vector<16xi32>
      %mul3A_106 = arith.muli %add3A_103, %mul3A_105 : vector<16xi32>
      %add3A_107 = vector.broadcast %scan3A_10 : i32 to vector<16xi32>
      %add3A_108 = arith.addi %mul3A_106, %add3A_107 : vector<16xi32>
      tpu.vector_store_idx %arg5[%add3A_108], %get3A_100 : memref<25600xi32, #tpu.memory_space<vmem>>[vector<16xi32>], vector<16xi32>,
      %get3A_109 = arith.index_cast %scan3A_10 : i32 to index
      %get3A_110 = arith.constant 144 : index
      %get3A_111 = tpu.vector_load %arg4[%get3A_109, %get3A_110] {strides = array<i32>} : memref<50x512xi32, #tpu.memory_space<vmem>>, vector<16xi32>,
      %add3A_112 = arith.constant 144 : i32
      %add3A_113 = vector.broadcast %add3A_112 : i32 to vector<16xi32>
      %add3A_114 = arith.addi %iota3A, %add3A_113 : vector<16xi32>
      %mul3A_115 = arith.constant 50 : i32
      %mul3A_116 = vector.broadcast %mul3A_115 : i32 to vector<16xi32>
      %mul3A_117 = arith.muli %add3A_114, %mul3A_116 : vector<16xi32>
      %add3A_118 = vector.broadcast %scan3A_10 : i32 to vector<16xi32>
      %add3A_119 = arith.addi %mul3A_117, %add3A_118 : vector<16xi32>
      tpu.vector_store_idx %arg5[%add3A_119], %get3A_111 : memref<25600xi32, #tpu.memory_space<vmem>>[vector<16xi32>], vector<16xi32>,
      %get3A_120 = arith.index_cast %scan3A_10 : i32 to index
      %get3A_121 = arith.constant 160 : index
      %get3A_122 = tpu.vector_load %arg4[%get3A_120, %get3A_121] {strides = array<i32>} : memref<50x512xi32, #tpu.memory_space<vmem>>, vector<16xi32>,
      %add3A_123 = arith.constant 160 : i32
      %add3A_124 = vector.broadcast %add3A_123 : i32 to vector<16xi32>
      %add3A_125 = arith.addi %iota3A, %add3A_124 : vector<16xi32>
      %mul3A_126 = arith.constant 50 : i32
      %mul3A_127 = vector.broadcast %mul3A_126 : i32 to vector<16xi32>
      %mul3A_128 = arith.muli %add3A_125, %mul3A_127 : vector<16xi32>
      %add3A_129 = vector.broadcast %scan3A_10 : i32 to vector<16xi32>
      %add3A_130 = arith.addi %mul3A_128, %add3A_129 : vector<16xi32>
      tpu.vector_store_idx %arg5[%add3A_130], %get3A_122 : memref<25600xi32, #tpu.memory_space<vmem>>[vector<16xi32>], vector<16xi32>,
      %get3A_131 = arith.index_cast %scan3A_10 : i32 to index
      %get3A_132 = arith.constant 176 : index
      %get3A_133 = tpu.vector_load %arg4[%get3A_131, %get3A_132] {strides = array<i32>} : memref<50x512xi32, #tpu.memory_space<vmem>>, vector<16xi32>,
      %add3A_134 = arith.constant 176 : i32
      %add3A_135 = vector.broadcast %add3A_134 : i32 to vector<16xi32>
      %add3A_136 = arith.addi %iota3A, %add3A_135 : vector<16xi32>
      %mul3A_137 = arith.constant 50 : i32
      %mul3A_138 = vector.broadcast %mul3A_137 : i32 to vector<16xi32>
      %mul3A_139 = arith.muli %add3A_136, %mul3A_138 : vector<16xi32>
      %add3A_140 = vector.broadcast %scan3A_10 : i32 to vector<16xi32>
      %add3A_141 = arith.addi %mul3A_139, %add3A_140 : vector<16xi32>
      tpu.vector_store_idx %arg5[%add3A_141], %get3A_133 : memref<25600xi32, #tpu.memory_space<vmem>>[vector<16xi32>], vector<16xi32>,
      %get3A_142 = arith.index_cast %scan3A_10 : i32 to index
      %get3A_143 = arith.constant 192 : index
      %get3A_144 = tpu.vector_load %arg4[%get3A_142, %get3A_143] {strides = array<i32>} : memref<50x512xi32, #tpu.memory_space<vmem>>, vector<16xi32>,
      %add3A_145 = arith.constant 192 : i32
      %add3A_146 = vector.broadcast %add3A_145 : i32 to vector<16xi32>
      %add3A_147 = arith.addi %iota3A, %add3A_146 : vector<16xi32>
      %mul3A_148 = arith.constant 50 : i32
      %mul3A_149 = vector.broadcast %mul3A_148 : i32 to vector<16xi32>
      %mul3A_150 = arith.muli %add3A_147, %mul3A_149 : vector<16xi32>
      %add3A_151 = vector.broadcast %scan3A_10 : i32 to vector<16xi32>
      %add3A_152 = arith.addi %mul3A_150, %add3A_151 : vector<16xi32>
      tpu.vector_store_idx %arg5[%add3A_152], %get3A_144 : memref<25600xi32, #tpu.memory_space<vmem>>[vector<16xi32>], vector<16xi32>,
      %get3A_153 = arith.index_cast %scan3A_10 : i32 to index
      %get3A_154 = arith.constant 208 : index
      %get3A_155 = tpu.vector_load %arg4[%get3A_153, %get3A_154] {strides = array<i32>} : memref<50x512xi32, #tpu.memory_space<vmem>>, vector<16xi32>,
      %add3A_156 = arith.constant 208 : i32
      %add3A_157 = vector.broadcast %add3A_156 : i32 to vector<16xi32>
      %add3A_158 = arith.addi %iota3A, %add3A_157 : vector<16xi32>
      %mul3A_159 = arith.constant 50 : i32
      %mul3A_160 = vector.broadcast %mul3A_159 : i32 to vector<16xi32>
      %mul3A_161 = arith.muli %add3A_158, %mul3A_160 : vector<16xi32>
      %add3A_162 = vector.broadcast %scan3A_10 : i32 to vector<16xi32>
      %add3A_163 = arith.addi %mul3A_161, %add3A_162 : vector<16xi32>
      tpu.vector_store_idx %arg5[%add3A_163], %get3A_155 : memref<25600xi32, #tpu.memory_space<vmem>>[vector<16xi32>], vector<16xi32>,
      %get3A_164 = arith.index_cast %scan3A_10 : i32 to index
      %get3A_165 = arith.constant 224 : index
      %get3A_166 = tpu.vector_load %arg4[%get3A_164, %get3A_165] {strides = array<i32>} : memref<50x512xi32, #tpu.memory_space<vmem>>, vector<16xi32>,
      %add3A_167 = arith.constant 224 : i32
      %add3A_168 = vector.broadcast %add3A_167 : i32 to vector<16xi32>
      %add3A_169 = arith.addi %iota3A, %add3A_168 : vector<16xi32>
      %mul3A_170 = arith.constant 50 : i32
      %mul3A_171 = vector.broadcast %mul3A_170 : i32 to vector<16xi32>
      %mul3A_172 = arith.muli %add3A_169, %mul3A_171 : vector<16xi32>
      %add3A_173 = vector.broadcast %scan3A_10 : i32 to vector<16xi32>
      %add3A_174 = arith.addi %mul3A_172, %add3A_173 : vector<16xi32>
      tpu.vector_store_idx %arg5[%add3A_174], %get3A_166 : memref<25600xi32, #tpu.memory_space<vmem>>[vector<16xi32>], vector<16xi32>,
      %get3A_175 = arith.index_cast %scan3A_10 : i32 to index
      %get3A_176 = arith.constant 240 : index
      %get3A_177 = tpu.vector_load %arg4[%get3A_175, %get3A_176] {strides = array<i32>} : memref<50x512xi32, #tpu.memory_space<vmem>>, vector<16xi32>,
      %add3A_178 = arith.constant 240 : i32
      %add3A_179 = vector.broadcast %add3A_178 : i32 to vector<16xi32>
      %add3A_180 = arith.addi %iota3A, %add3A_179 : vector<16xi32>
      %mul3A_181 = arith.constant 50 : i32
      %mul3A_182 = vector.broadcast %mul3A_181 : i32 to vector<16xi32>
      %mul3A_183 = arith.muli %add3A_180, %mul3A_182 : vector<16xi32>
      %add3A_184 = vector.broadcast %scan3A_10 : i32 to vector<16xi32>
      %add3A_185 = arith.addi %mul3A_183, %add3A_184 : vector<16xi32>
      tpu.vector_store_idx %arg5[%add3A_185], %get3A_177 : memref<25600xi32, #tpu.memory_space<vmem>>[vector<16xi32>], vector<16xi32>,
      %get3A_186 = arith.index_cast %scan3A_10 : i32 to index
      %get3A_187 = arith.constant 256 : index
      %get3A_188 = tpu.vector_load %arg4[%get3A_186, %get3A_187] {strides = array<i32>} : memref<50x512xi32, #tpu.memory_space<vmem>>, vector<16xi32>,
      %add3A_189 = arith.constant 256 : i32
      %add3A_190 = vector.broadcast %add3A_189 : i32 to vector<16xi32>
      %add3A_191 = arith.addi %iota3A, %add3A_190 : vector<16xi32>
      %mul3A_192 = arith.constant 50 : i32
      %mul3A_193 = vector.broadcast %mul3A_192 : i32 to vector<16xi32>
      %mul3A_194 = arith.muli %add3A_191, %mul3A_193 : vector<16xi32>
      %add3A_195 = vector.broadcast %scan3A_10 : i32 to vector<16xi32>
      %add3A_196 = arith.addi %mul3A_194, %add3A_195 : vector<16xi32>
      tpu.vector_store_idx %arg5[%add3A_196], %get3A_188 : memref<25600xi32, #tpu.memory_space<vmem>>[vector<16xi32>], vector<16xi32>,
      %get3A_197 = arith.index_cast %scan3A_10 : i32 to index
      %get3A_198 = arith.constant 272 : index
      %get3A_199 = tpu.vector_load %arg4[%get3A_197, %get3A_198] {strides = array<i32>} : memref<50x512xi32, #tpu.memory_space<vmem>>, vector<16xi32>,
      %add3A_200 = arith.constant 272 : i32
      %add3A_201 = vector.broadcast %add3A_200 : i32 to vector<16xi32>
      %add3A_202 = arith.addi %iota3A, %add3A_201 : vector<16xi32>
      %mul3A_203 = arith.constant 50 : i32
      %mul3A_204 = vector.broadcast %mul3A_203 : i32 to vector<16xi32>
      %mul3A_205 = arith.muli %add3A_202, %mul3A_204 : vector<16xi32>
      %add3A_206 = vector.broadcast %scan3A_10 : i32 to vector<16xi32>
      %add3A_207 = arith.addi %mul3A_205, %add3A_206 : vector<16xi32>
      tpu.vector_store_idx %arg5[%add3A_207], %get3A_199 : memref<25600xi32, #tpu.memory_space<vmem>>[vector<16xi32>], vector<16xi32>,
      %get3A_208 = arith.index_cast %scan3A_10 : i32 to index
      %get3A_209 = arith.constant 288 : index
      %get3A_210 = tpu.vector_load %arg4[%get3A_208, %get3A_209] {strides = array<i32>} : memref<50x512xi32, #tpu.memory_space<vmem>>, vector<16xi32>,
      %add3A_211 = arith.constant 288 : i32
      %add3A_212 = vector.broadcast %add3A_211 : i32 to vector<16xi32>
      %add3A_213 = arith.addi %iota3A, %add3A_212 : vector<16xi32>
      %mul3A_214 = arith.constant 50 : i32
      %mul3A_215 = vector.broadcast %mul3A_214 : i32 to vector<16xi32>
      %mul3A_216 = arith.muli %add3A_213, %mul3A_215 : vector<16xi32>
      %add3A_217 = vector.broadcast %scan3A_10 : i32 to vector<16xi32>
      %add3A_218 = arith.addi %mul3A_216, %add3A_217 : vector<16xi32>
      tpu.vector_store_idx %arg5[%add3A_218], %get3A_210 : memref<25600xi32, #tpu.memory_space<vmem>>[vector<16xi32>], vector<16xi32>,
      %get3A_219 = arith.index_cast %scan3A_10 : i32 to index
      %get3A_220 = arith.constant 304 : index
      %get3A_221 = tpu.vector_load %arg4[%get3A_219, %get3A_220] {strides = array<i32>} : memref<50x512xi32, #tpu.memory_space<vmem>>, vector<16xi32>,
      %add3A_222 = arith.constant 304 : i32
      %add3A_223 = vector.broadcast %add3A_222 : i32 to vector<16xi32>
      %add3A_224 = arith.addi %iota3A, %add3A_223 : vector<16xi32>
      %mul3A_225 = arith.constant 50 : i32
      %mul3A_226 = vector.broadcast %mul3A_225 : i32 to vector<16xi32>
      %mul3A_227 = arith.muli %add3A_224, %mul3A_226 : vector<16xi32>
      %add3A_228 = vector.broadcast %scan3A_10 : i32 to vector<16xi32>
      %add3A_229 = arith.addi %mul3A_227, %add3A_228 : vector<16xi32>
      tpu.vector_store_idx %arg5[%add3A_229], %get3A_221 : memref<25600xi32, #tpu.memory_space<vmem>>[vector<16xi32>], vector<16xi32>,
      %get3A_230 = arith.index_cast %scan3A_10 : i32 to index
      %get3A_231 = arith.constant 320 : index
      %get3A_232 = tpu.vector_load %arg4[%get3A_230, %get3A_231] {strides = array<i32>} : memref<50x512xi32, #tpu.memory_space<vmem>>, vector<16xi32>,
      %add3A_233 = arith.constant 320 : i32
      %add3A_234 = vector.broadcast %add3A_233 : i32 to vector<16xi32>
      %add3A_235 = arith.addi %iota3A, %add3A_234 : vector<16xi32>
      %mul3A_236 = arith.constant 50 : i32
      %mul3A_237 = vector.broadcast %mul3A_236 : i32 to vector<16xi32>
      %mul3A_238 = arith.muli %add3A_235, %mul3A_237 : vector<16xi32>
      %add3A_239 = vector.broadcast %scan3A_10 : i32 to vector<16xi32>
      %add3A_240 = arith.addi %mul3A_238, %add3A_239 : vector<16xi32>
      tpu.vector_store_idx %arg5[%add3A_240], %get3A_232 : memref<25600xi32, #tpu.memory_space<vmem>>[vector<16xi32>], vector<16xi32>,
      %get3A_241 = arith.index_cast %scan3A_10 : i32 to index
      %get3A_242 = arith.constant 336 : index
      %get3A_243 = tpu.vector_load %arg4[%get3A_241, %get3A_242] {strides = array<i32>} : memref<50x512xi32, #tpu.memory_space<vmem>>, vector<16xi32>,
      %add3A_244 = arith.constant 336 : i32
      %add3A_245 = vector.broadcast %add3A_244 : i32 to vector<16xi32>
      %add3A_246 = arith.addi %iota3A, %add3A_245 : vector<16xi32>
      %mul3A_247 = arith.constant 50 : i32
      %mul3A_248 = vector.broadcast %mul3A_247 : i32 to vector<16xi32>
      %mul3A_249 = arith.muli %add3A_246, %mul3A_248 : vector<16xi32>
      %add3A_250 = vector.broadcast %scan3A_10 : i32 to vector<16xi32>
      %add3A_251 = arith.addi %mul3A_249, %add3A_250 : vector<16xi32>
      tpu.vector_store_idx %arg5[%add3A_251], %get3A_243 : memref<25600xi32, #tpu.memory_space<vmem>>[vector<16xi32>], vector<16xi32>,
      %get3A_252 = arith.index_cast %scan3A_10 : i32 to index
      %get3A_253 = arith.constant 352 : index
      %get3A_254 = tpu.vector_load %arg4[%get3A_252, %get3A_253] {strides = array<i32>} : memref<50x512xi32, #tpu.memory_space<vmem>>, vector<16xi32>,
      %add3A_255 = arith.constant 352 : i32
      %add3A_256 = vector.broadcast %add3A_255 : i32 to vector<16xi32>
      %add3A_257 = arith.addi %iota3A, %add3A_256 : vector<16xi32>
      %mul3A_258 = arith.constant 50 : i32
      %mul3A_259 = vector.broadcast %mul3A_258 : i32 to vector<16xi32>
      %mul3A_260 = arith.muli %add3A_257, %mul3A_259 : vector<16xi32>
      %add3A_261 = vector.broadcast %scan3A_10 : i32 to vector<16xi32>
      %add3A_262 = arith.addi %mul3A_260, %add3A_261 : vector<16xi32>
      tpu.vector_store_idx %arg5[%add3A_262], %get3A_254 : memref<25600xi32, #tpu.memory_space<vmem>>[vector<16xi32>], vector<16xi32>,
      %get3A_263 = arith.index_cast %scan3A_10 : i32 to index
      %get3A_264 = arith.constant 368 : index
      %get3A_265 = tpu.vector_load %arg4[%get3A_263, %get3A_264] {strides = array<i32>} : memref<50x512xi32, #tpu.memory_space<vmem>>, vector<16xi32>,
      %add3A_266 = arith.constant 368 : i32
      %add3A_267 = vector.broadcast %add3A_266 : i32 to vector<16xi32>
      %add3A_268 = arith.addi %iota3A, %add3A_267 : vector<16xi32>
      %mul3A_269 = arith.constant 50 : i32
      %mul3A_270 = vector.broadcast %mul3A_269 : i32 to vector<16xi32>
      %mul3A_271 = arith.muli %add3A_268, %mul3A_270 : vector<16xi32>
      %add3A_272 = vector.broadcast %scan3A_10 : i32 to vector<16xi32>
      %add3A_273 = arith.addi %mul3A_271, %add3A_272 : vector<16xi32>
      tpu.vector_store_idx %arg5[%add3A_273], %get3A_265 : memref<25600xi32, #tpu.memory_space<vmem>>[vector<16xi32>], vector<16xi32>,
      %get3A_274 = arith.index_cast %scan3A_10 : i32 to index
      %get3A_275 = arith.constant 384 : index
      %get3A_276 = tpu.vector_load %arg4[%get3A_274, %get3A_275] {strides = array<i32>} : memref<50x512xi32, #tpu.memory_space<vmem>>, vector<16xi32>,
      %add3A_277 = arith.constant 384 : i32
      %add3A_278 = vector.broadcast %add3A_277 : i32 to vector<16xi32>
      %add3A_279 = arith.addi %iota3A, %add3A_278 : vector<16xi32>
      %mul3A_280 = arith.constant 50 : i32
      %mul3A_281 = vector.broadcast %mul3A_280 : i32 to vector<16xi32>
      %mul3A_282 = arith.muli %add3A_279, %mul3A_281 : vector<16xi32>
      %add3A_283 = vector.broadcast %scan3A_10 : i32 to vector<16xi32>
      %add3A_284 = arith.addi %mul3A_282, %add3A_283 : vector<16xi32>
      tpu.vector_store_idx %arg5[%add3A_284], %get3A_276 : memref<25600xi32, #tpu.memory_space<vmem>>[vector<16xi32>], vector<16xi32>,
      %get3A_285 = arith.index_cast %scan3A_10 : i32 to index
      %get3A_286 = arith.constant 400 : index
      %get3A_287 = tpu.vector_load %arg4[%get3A_285, %get3A_286] {strides = array<i32>} : memref<50x512xi32, #tpu.memory_space<vmem>>, vector<16xi32>,
      %add3A_288 = arith.constant 400 : i32
      %add3A_289 = vector.broadcast %add3A_288 : i32 to vector<16xi32>
      %add3A_290 = arith.addi %iota3A, %add3A_289 : vector<16xi32>
      %mul3A_291 = arith.constant 50 : i32
      %mul3A_292 = vector.broadcast %mul3A_291 : i32 to vector<16xi32>
      %mul3A_293 = arith.muli %add3A_290, %mul3A_292 : vector<16xi32>
      %add3A_294 = vector.broadcast %scan3A_10 : i32 to vector<16xi32>
      %add3A_295 = arith.addi %mul3A_293, %add3A_294 : vector<16xi32>
      tpu.vector_store_idx %arg5[%add3A_295], %get3A_287 : memref<25600xi32, #tpu.memory_space<vmem>>[vector<16xi32>], vector<16xi32>,
      %get3A_296 = arith.index_cast %scan3A_10 : i32 to index
      %get3A_297 = arith.constant 416 : index
      %get3A_298 = tpu.vector_load %arg4[%get3A_296, %get3A_297] {strides = array<i32>} : memref<50x512xi32, #tpu.memory_space<vmem>>, vector<16xi32>,
      %add3A_299 = arith.constant 416 : i32
      %add3A_300 = vector.broadcast %add3A_299 : i32 to vector<16xi32>
      %add3A_301 = arith.addi %iota3A, %add3A_300 : vector<16xi32>
      %mul3A_302 = arith.constant 50 : i32
      %mul3A_303 = vector.broadcast %mul3A_302 : i32 to vector<16xi32>
      %mul3A_304 = arith.muli %add3A_301, %mul3A_303 : vector<16xi32>
      %add3A_305 = vector.broadcast %scan3A_10 : i32 to vector<16xi32>
      %add3A_306 = arith.addi %mul3A_304, %add3A_305 : vector<16xi32>
      tpu.vector_store_idx %arg5[%add3A_306], %get3A_298 : memref<25600xi32, #tpu.memory_space<vmem>>[vector<16xi32>], vector<16xi32>,
      %get3A_307 = arith.index_cast %scan3A_10 : i32 to index
      %get3A_308 = arith.constant 432 : index
      %get3A_309 = tpu.vector_load %arg4[%get3A_307, %get3A_308] {strides = array<i32>} : memref<50x512xi32, #tpu.memory_space<vmem>>, vector<16xi32>,
      %add3A_310 = arith.constant 432 : i32
      %add3A_311 = vector.broadcast %add3A_310 : i32 to vector<16xi32>
      %add3A_312 = arith.addi %iota3A, %add3A_311 : vector<16xi32>
      %mul3A_313 = arith.constant 50 : i32
      %mul3A_314 = vector.broadcast %mul3A_313 : i32 to vector<16xi32>
      %mul3A_315 = arith.muli %add3A_312, %mul3A_314 : vector<16xi32>
      %add3A_316 = vector.broadcast %scan3A_10 : i32 to vector<16xi32>
      %add3A_317 = arith.addi %mul3A_315, %add3A_316 : vector<16xi32>
      tpu.vector_store_idx %arg5[%add3A_317], %get3A_309 : memref<25600xi32, #tpu.memory_space<vmem>>[vector<16xi32>], vector<16xi32>,
      %get3A_318 = arith.index_cast %scan3A_10 : i32 to index
      %get3A_319 = arith.constant 448 : index
      %get3A_320 = tpu.vector_load %arg4[%get3A_318, %get3A_319] {strides = array<i32>} : memref<50x512xi32, #tpu.memory_space<vmem>>, vector<16xi32>,
      %add3A_321 = arith.constant 448 : i32
      %add3A_322 = vector.broadcast %add3A_321 : i32 to vector<16xi32>
      %add3A_323 = arith.addi %iota3A, %add3A_322 : vector<16xi32>
      %mul3A_324 = arith.constant 50 : i32
      %mul3A_325 = vector.broadcast %mul3A_324 : i32 to vector<16xi32>
      %mul3A_326 = arith.muli %add3A_323, %mul3A_325 : vector<16xi32>
      %add3A_327 = vector.broadcast %scan3A_10 : i32 to vector<16xi32>
      %add3A_328 = arith.addi %mul3A_326, %add3A_327 : vector<16xi32>
      tpu.vector_store_idx %arg5[%add3A_328], %get3A_320 : memref<25600xi32, #tpu.memory_space<vmem>>[vector<16xi32>], vector<16xi32>,
      %get3A_329 = arith.index_cast %scan3A_10 : i32 to index
      %get3A_330 = arith.constant 464 : index
      %get3A_331 = tpu.vector_load %arg4[%get3A_329, %get3A_330] {strides = array<i32>} : memref<50x512xi32, #tpu.memory_space<vmem>>, vector<16xi32>,
      %add3A_332 = arith.constant 464 : i32
      %add3A_333 = vector.broadcast %add3A_332 : i32 to vector<16xi32>
      %add3A_334 = arith.addi %iota3A, %add3A_333 : vector<16xi32>
      %mul3A_335 = arith.constant 50 : i32
      %mul3A_336 = vector.broadcast %mul3A_335 : i32 to vector<16xi32>
      %mul3A_337 = arith.muli %add3A_334, %mul3A_336 : vector<16xi32>
      %add3A_338 = vector.broadcast %scan3A_10 : i32 to vector<16xi32>
      %add3A_339 = arith.addi %mul3A_337, %add3A_338 : vector<16xi32>
      tpu.vector_store_idx %arg5[%add3A_339], %get3A_331 : memref<25600xi32, #tpu.memory_space<vmem>>[vector<16xi32>], vector<16xi32>,
      %get3A_340 = arith.index_cast %scan3A_10 : i32 to index
      %get3A_341 = arith.constant 480 : index
      %get3A_342 = tpu.vector_load %arg4[%get3A_340, %get3A_341] {strides = array<i32>} : memref<50x512xi32, #tpu.memory_space<vmem>>, vector<16xi32>,
      %add3A_343 = arith.constant 480 : i32
      %add3A_344 = vector.broadcast %add3A_343 : i32 to vector<16xi32>
      %add3A_345 = arith.addi %iota3A, %add3A_344 : vector<16xi32>
      %mul3A_346 = arith.constant 50 : i32
      %mul3A_347 = vector.broadcast %mul3A_346 : i32 to vector<16xi32>
      %mul3A_348 = arith.muli %add3A_345, %mul3A_347 : vector<16xi32>
      %add3A_349 = vector.broadcast %scan3A_10 : i32 to vector<16xi32>
      %add3A_350 = arith.addi %mul3A_348, %add3A_349 : vector<16xi32>
      tpu.vector_store_idx %arg5[%add3A_350], %get3A_342 : memref<25600xi32, #tpu.memory_space<vmem>>[vector<16xi32>], vector<16xi32>,
      %get3A_351 = arith.index_cast %scan3A_10 : i32 to index
      %get3A_352 = arith.constant 496 : index
      %get3A_353 = tpu.vector_load %arg4[%get3A_351, %get3A_352] {strides = array<i32>} : memref<50x512xi32, #tpu.memory_space<vmem>>, vector<16xi32>,
      %add3A_354 = arith.constant 496 : i32
      %add3A_355 = vector.broadcast %add3A_354 : i32 to vector<16xi32>
      %add3A_356 = arith.addi %iota3A, %add3A_355 : vector<16xi32>
      %mul3A_357 = arith.constant 50 : i32
      %mul3A_358 = vector.broadcast %mul3A_357 : i32 to vector<16xi32>
      %mul3A_359 = arith.muli %add3A_356, %mul3A_358 : vector<16xi32>
      %add3A_360 = vector.broadcast %scan3A_10 : i32 to vector<16xi32>
      %add3A_361 = arith.addi %mul3A_359, %add3A_360 : vector<16xi32>
      tpu.vector_store_idx %arg5[%add3A_361], %get3A_353 : memref<25600xi32, #tpu.memory_space<vmem>>[vector<16xi32>], vector<16xi32>,
    }
    %scan3A_7 = arith.constant 50 : i32
    %mul3A_8 = arith.constant 50 : i32
    %mul3A_9 = arith.muli %mul3A_2, %mul3A_8 : i32
    "tpu.region"() ({
      %run_scoped3A = tpu.sem_alloc : memref<!tpu.dma_semaphore, #tpu.memory_space<semaphore_mem>>
      %dma_start3A = tpu.memref_slice %arg3[%mul3A_9] : memref<819200xi32, #tpu.memory_space<hbm>> -> memref<25600xi32, #tpu.memory_space<hbm>>
      %dma_start3A_10 = tpu.memref_slice %arg3[%mul3A_9] : memref<819200xi32, #tpu.memory_space<hbm>> -> memref<25600xi32, #tpu.memory_space<hbm>>
      tpu.enqueue_dma source(%arg5 : memref<25600xi32, #tpu.memory_space<vmem>>) target(%dma_start3A_10 : memref<25600xi32, #tpu.memory_space<hbm>>) target_semaphore(%run_scoped3A : memref<!tpu.dma_semaphore, #tpu.memory_space<semaphore_mem>>)
      %dma_wait3A = tpu.memref_slice %arg3[%mul3A_9] : memref<819200xi32, #tpu.memory_space<hbm>> -> memref<25600xi32, #tpu.memory_space<hbm>>
      %dma_wait3A_11 = tpu.memref_slice %arg3[%mul3A_9] : memref<819200xi32, #tpu.memory_space<hbm>> -> memref<25600xi32, #tpu.memory_space<hbm>>
      tpu.wait_dma2 semaphore(%run_scoped3A : memref<!tpu.dma_semaphore, #tpu.memory_space<semaphore_mem>>) src(%arg5 : memref<25600xi32, #tpu.memory_space<vmem>>) dst(%dma_wait3A_11 : memref<25600xi32, #tpu.memory_space<hbm>>)
      tpu.yield
    }) : () -> ()
    return
  }
}

#map = affine_map<(d0, d1) -> (0, 0)>
#map1 = affine_map<(d0, d1) -> (0)>
module attributes {stable_mosaic.version = 14 : i64} {
  func.func @k(%arg0: i32, %arg1: i32, %arg2: memref<1000000x64xf32, #tpu.memory_space<hbm>>, %arg3: memref<819200xi32, #tpu.memory_space<hbm>>, %arg4: memref<819200x64xf32, #tpu.memory_space<hbm>>, %arg5: memref<25600xi32, #tpu.memory_space<vmem>>, %arg6: memref<3x512x64xf32, #tpu.memory_space<vmem>>, %arg7: memref<3x!tpu.dma_semaphore, #tpu.memory_space<semaphore_mem>>, %arg8: memref<3x!tpu.dma_semaphore, #tpu.memory_space<semaphore_mem>>) attributes {dimension_semantics = [#tpu.dimension_semantics<core_parallel>, #tpu.dimension_semantics<subcore_parallel>], iteration_bounds = array<i64: 2, 16>, scalar_prefetch = 0 : i64, scratch_operands = 4 : i64, tpu.core_type = #tpu.core_type<sc_vector_subcore>, window_params = [{transform_indices = #map}, {transform_indices = #map1}, {transform_indices = #map}]} {
    %mul3A = arith.constant 2 : i32
    %mul3A_0 = arith.muli %arg1, %mul3A : i32
    %add3A = arith.addi %mul3A_0, %arg0 : i32
    %mul3A_1 = arith.constant 25600 : i32
    %mul3A_2 = arith.muli %add3A, %mul3A_1 : i32
    "tpu.region"() ({
      %run_scoped3A = tpu.sem_alloc : memref<!tpu.dma_semaphore, #tpu.memory_space<semaphore_mem>>
      %dma_start3A_104 = tpu.memref_slice %arg3[%mul3A_2] : memref<819200xi32, #tpu.memory_space<hbm>> -> memref<25600xi32, #tpu.memory_space<hbm>>
      %dma_start3A_105 = tpu.memref_slice %arg3[%mul3A_2] : memref<819200xi32, #tpu.memory_space<hbm>> -> memref<25600xi32, #tpu.memory_space<hbm>>
      tpu.enqueue_dma source(%dma_start3A_105 : memref<25600xi32, #tpu.memory_space<hbm>>) target(%arg5 : memref<25600xi32, #tpu.memory_space<vmem>>) target_semaphore(%run_scoped3A : memref<!tpu.dma_semaphore, #tpu.memory_space<semaphore_mem>>)
      %dma_wait3A_106 = tpu.memref_slice %arg3[%mul3A_2] : memref<819200xi32, #tpu.memory_space<hbm>> -> memref<25600xi32, #tpu.memory_space<hbm>>
      %dma_wait3A_107 = tpu.memref_slice %arg3[%mul3A_2] : memref<819200xi32, #tpu.memory_space<hbm>> -> memref<25600xi32, #tpu.memory_space<hbm>>
      tpu.wait_dma2 semaphore(%run_scoped3A : memref<!tpu.dma_semaphore, #tpu.memory_space<semaphore_mem>>) src(%dma_wait3A_107 : memref<25600xi32, #tpu.memory_space<hbm>>) dst(%arg5 : memref<25600xi32, #tpu.memory_space<vmem>>)
      tpu.yield
    }) : () -> ()
    %multiple_of3A = arith.constant 0 : i32
    %multiple_of3A_3 = tpu.assume_multiple %multiple_of3A, 512 : i32
    %dma_start3A = arith.constant 0 : i32
    %dma_start3A_4 = arith.constant 0 : i32
    %dma_start3A_5 = arith.constant 0 : i32
    %dma_start3A_6 = arith.constant 0 : i32
    %dma_start3A_7 = tpu.memref_slice %arg6[%dma_start3A, %dma_start3A_5, %dma_start3A_6] : memref<3x512x64xf32, #tpu.memory_space<vmem>> -> memref<1x512x64xf32, #tpu.memory_space<vmem>>
    %dma_start3A_8 = tpu.memref_squeeze %dma_start3A_7 : memref<1x512x64xf32, #tpu.memory_space<vmem>> -> memref<512x64xf32, #tpu.memory_space<vmem>>
    %dma_start3A_9 = tpu.memref_slice %arg5[%multiple_of3A_3] : memref<25600xi32, #tpu.memory_space<vmem>> -> memref<512xi32, #tpu.memory_space<vmem>>
    %dma_start3A_10 = arith.constant 0 : i32
    %dma_start3A_11 = arith.constant 0 : i32
    %dma_start3A_12 = tpu.memref_slice %arg2[%dma_start3A_10, %dma_start3A_11] : memref<1000000x64xf32, #tpu.memory_space<hbm>> -> memref<1000000x64xf32, #tpu.memory_space<hbm>>
    %dma_start3A_13 = tpu.memref_slice %arg7[%dma_start3A_4] : memref<3x!tpu.dma_semaphore, #tpu.memory_space<semaphore_mem>> -> memref<1x!tpu.dma_semaphore, #tpu.memory_space<semaphore_mem>>
    %dma_start3A_14 = tpu.memref_squeeze %dma_start3A_13 : memref<1x!tpu.dma_semaphore, #tpu.memory_space<semaphore_mem>> -> memref<!tpu.dma_semaphore, #tpu.memory_space<semaphore_mem>>
    tpu.enqueue_indirect_dma source(%dma_start3A_12 : memref<1000000x64xf32, #tpu.memory_space<hbm>>) target(%dma_start3A_8 : memref<512x64xf32, #tpu.memory_space<vmem>>) offsets(%dma_start3A_9 : memref<512xi32, #tpu.memory_space<vmem>>) semaphore(%dma_start3A_14 : memref<!tpu.dma_semaphore, #tpu.memory_space<semaphore_mem>>)
    %multiple_of3A_15 = arith.constant 512 : i32
    %multiple_of3A_16 = tpu.assume_multiple %multiple_of3A_15, 512 : i32
    %dma_start3A_17 = arith.constant 1 : i32
    %dma_start3A_18 = arith.constant 1 : i32
    %dma_start3A_19 = arith.constant 0 : i32
    %dma_start3A_20 = arith.constant 0 : i32
    %dma_start3A_21 = tpu.memref_slice %arg6[%dma_start3A_17, %dma_start3A_19, %dma_start3A_20] : memref<3x512x64xf32, #tpu.memory_space<vmem>> -> memref<1x512x64xf32, #tpu.memory_space<vmem>>
    %dma_start3A_22 = tpu.memref_squeeze %dma_start3A_21 : memref<1x512x64xf32, #tpu.memory_space<vmem>> -> memref<512x64xf32, #tpu.memory_space<vmem>>
    %dma_start3A_23 = tpu.memref_slice %arg5[%multiple_of3A_16] : memref<25600xi32, #tpu.memory_space<vmem>> -> memref<512xi32, #tpu.memory_space<vmem>>
    %dma_start3A_24 = arith.constant 0 : i32
    %dma_start3A_25 = arith.constant 0 : i32
    %dma_start3A_26 = tpu.memref_slice %arg2[%dma_start3A_24, %dma_start3A_25] : memref<1000000x64xf32, #tpu.memory_space<hbm>> -> memref<1000000x64xf32, #tpu.memory_space<hbm>>
    %dma_start3A_27 = tpu.memref_slice %arg7[%dma_start3A_18] : memref<3x!tpu.dma_semaphore, #tpu.memory_space<semaphore_mem>> -> memref<1x!tpu.dma_semaphore, #tpu.memory_space<semaphore_mem>>
    %dma_start3A_28 = tpu.memref_squeeze %dma_start3A_27 : memref<1x!tpu.dma_semaphore, #tpu.memory_space<semaphore_mem>> -> memref<!tpu.dma_semaphore, #tpu.memory_space<semaphore_mem>>
    tpu.enqueue_indirect_dma source(%dma_start3A_26 : memref<1000000x64xf32, #tpu.memory_space<hbm>>) target(%dma_start3A_22 : memref<512x64xf32, #tpu.memory_space<vmem>>) offsets(%dma_start3A_23 : memref<512xi32, #tpu.memory_space<vmem>>) semaphore(%dma_start3A_28 : memref<!tpu.dma_semaphore, #tpu.memory_space<semaphore_mem>>)
    %multiple_of3A_29 = arith.constant 1024 : i32
    %multiple_of3A_30 = tpu.assume_multiple %multiple_of3A_29, 512 : i32
    %dma_start3A_31 = arith.constant 2 : i32
    %dma_start3A_32 = arith.constant 2 : i32
    %dma_start3A_33 = arith.constant 0 : i32
    %dma_start3A_34 = arith.constant 0 : i32
    %dma_start3A_35 = tpu.memref_slice %arg6[%dma_start3A_31, %dma_start3A_33, %dma_start3A_34] : memref<3x512x64xf32, #tpu.memory_space<vmem>> -> memref<1x512x64xf32, #tpu.memory_space<vmem>>
    %dma_start3A_36 = tpu.memref_squeeze %dma_start3A_35 : memref<1x512x64xf32, #tpu.memory_space<vmem>> -> memref<512x64xf32, #tpu.memory_space<vmem>>
    %dma_start3A_37 = tpu.memref_slice %arg5[%multiple_of3A_30] : memref<25600xi32, #tpu.memory_space<vmem>> -> memref<512xi32, #tpu.memory_space<vmem>>
    %dma_start3A_38 = arith.constant 0 : i32
    %dma_start3A_39 = arith.constant 0 : i32
    %dma_start3A_40 = tpu.memref_slice %arg2[%dma_start3A_38, %dma_start3A_39] : memref<1000000x64xf32, #tpu.memory_space<hbm>> -> memref<1000000x64xf32, #tpu.memory_space<hbm>>
    %dma_start3A_41 = tpu.memref_slice %arg7[%dma_start3A_32] : memref<3x!tpu.dma_semaphore, #tpu.memory_space<semaphore_mem>> -> memref<1x!tpu.dma_semaphore, #tpu.memory_space<semaphore_mem>>
    %dma_start3A_42 = tpu.memref_squeeze %dma_start3A_41 : memref<1x!tpu.dma_semaphore, #tpu.memory_space<semaphore_mem>> -> memref<!tpu.dma_semaphore, #tpu.memory_space<semaphore_mem>>
    tpu.enqueue_indirect_dma source(%dma_start3A_40 : memref<1000000x64xf32, #tpu.memory_space<hbm>>) target(%dma_start3A_36 : memref<512x64xf32, #tpu.memory_space<vmem>>) offsets(%dma_start3A_37 : memref<512xi32, #tpu.memory_space<vmem>>) semaphore(%dma_start3A_42 : memref<!tpu.dma_semaphore, #tpu.memory_space<semaphore_mem>>)
    %scan3A = arith.constant 0 : i32
    %scan3A_43 = arith.constant 0 : i32
    %scan3A_44 = arith.constant 17 : i32
    %scan3A_45 = arith.addi %scan3A_43, %scan3A_44 : i32
    %scan3A_46 = arith.constant 1 : i32
    scf.for %scan3A_104 = %scan3A_43 to %scan3A_45 step %scan3A_46  : i32 {
      %mul3A_105 = arith.constant 3 : i32
      %mul3A_106 = arith.muli %scan3A_104, %mul3A_105 : i32
      %add3A_107 = arith.constant 0 : i32
      %add3A_108 = arith.addi %mul3A_106, %add3A_107 : i32
      %lt3A = arith.constant 50 : i32
      %lt3A_109 = arith.cmpi slt, %add3A_108, %lt3A : i32
      %convert_element_type3A = arith.extui %lt3A_109 : i1 to i32
      %cond3A = arith.constant 0 : i32
      %cond3A_110 = arith.cmpi ne, %convert_element_type3A, %cond3A : i32
      scf.if %cond3A_110 {
        %mul3A_129 = arith.constant 512 : i32
        %mul3A_130 = arith.muli %add3A_108, %mul3A_129 : i32
        %multiple_of3A_131 = tpu.assume_multiple %mul3A_130, 512 : i32
        %dma_wait3A_132 = arith.constant 0 : i32
        %dma_wait3A_133 = arith.constant 0 : i32
        %dma_wait3A_134 = arith.constant 0 : i32
        %dma_wait3A_135 = arith.constant 0 : i32
        %dma_wait3A_136 = tpu.memref_slice %arg6[%dma_wait3A_132, %dma_wait3A_134, %dma_wait3A_135] : memref<3x512x64xf32, #tpu.memory_space<vmem>> -> memref<1x512x64xf32, #tpu.memory_space<vmem>>
        %dma_wait3A_137 = tpu.memref_squeeze %dma_wait3A_136 : memref<1x512x64xf32, #tpu.memory_space<vmem>> -> memref<512x64xf32, #tpu.memory_space<vmem>>
        %dma_wait3A_138 = tpu.memref_slice %arg5[%multiple_of3A_131] : memref<25600xi32, #tpu.memory_space<vmem>> -> memref<512xi32, #tpu.memory_space<vmem>>
        %dma_wait3A_139 = arith.constant 0 : i32
        %dma_wait3A_140 = arith.constant 0 : i32
        %dma_wait3A_141 = tpu.memref_slice %arg2[%dma_wait3A_139, %dma_wait3A_140] : memref<1000000x64xf32, #tpu.memory_space<hbm>> -> memref<1000000x64xf32, #tpu.memory_space<hbm>>
        %dma_wait3A_142 = tpu.memref_slice %arg7[%dma_wait3A_133] : memref<3x!tpu.dma_semaphore, #tpu.memory_space<semaphore_mem>> -> memref<1x!tpu.dma_semaphore, #tpu.memory_space<semaphore_mem>>
        %dma_wait3A_143 = tpu.memref_squeeze %dma_wait3A_142 : memref<1x!tpu.dma_semaphore, #tpu.memory_space<semaphore_mem>> -> memref<!tpu.dma_semaphore, #tpu.memory_space<semaphore_mem>>
        tpu.wait_indirect_dma semaphore(%dma_wait3A_143 : memref<!tpu.dma_semaphore, #tpu.memory_space<semaphore_mem>>) src(%dma_wait3A_141 : memref<1000000x64xf32, #tpu.memory_space<hbm>>) dst(%dma_wait3A_137 : memref<512x64xf32, #tpu.memory_space<vmem>>)
        %mul3A_144 = arith.constant 512 : i32
        %mul3A_145 = arith.muli %add3A_108, %mul3A_144 : i32
        %add3A_146 = arith.addi %mul3A_2, %mul3A_145 : i32
        %multiple_of3A_147 = tpu.assume_multiple %add3A_146, 512 : i32
        %dma_start3A_148 = arith.constant 0 : i32
        %dma_start3A_149 = arith.constant 0 : i32
        %dma_start3A_150 = arith.constant 0 : i32
        %dma_start3A_151 = arith.constant 0 : i32
        %dma_start3A_152 = tpu.memref_slice %arg6[%dma_start3A_148, %dma_start3A_150, %dma_start3A_151] : memref<3x512x64xf32, #tpu.memory_space<vmem>> -> memref<1x512x64xf32, #tpu.memory_space<vmem>>
        %dma_start3A_153 = tpu.memref_squeeze %dma_start3A_152 : memref<1x512x64xf32, #tpu.memory_space<vmem>> -> memref<512x64xf32, #tpu.memory_space<vmem>>
        %dma_start3A_154 = arith.constant 0 : i32
        %dma_start3A_155 = tpu.memref_slice %arg4[%multiple_of3A_147, %dma_start3A_154] : memref<819200x64xf32, #tpu.memory_space<hbm>> -> memref<512x64xf32, #tpu.memory_space<hbm>>
        %dma_start3A_156 = tpu.memref_slice %arg8[%dma_start3A_149] : memref<3x!tpu.dma_semaphore, #tpu.memory_space<semaphore_mem>> -> memref<1x!tpu.dma_semaphore, #tpu.memory_space<semaphore_mem>>
        %dma_start3A_157 = tpu.memref_squeeze %dma_start3A_156 : memref<1x!tpu.dma_semaphore, #tpu.memory_space<semaphore_mem>> -> memref<!tpu.dma_semaphore, #tpu.memory_space<semaphore_mem>>
        %dma_start3A_158 = arith.constant 0 : i32
        %dma_start3A_159 = tpu.memref_slice %arg4[%multiple_of3A_147, %dma_start3A_158] : memref<819200x64xf32, #tpu.memory_space<hbm>> -> memref<512x64xf32, #tpu.memory_space<hbm>>
        %dma_start3A_160 = arith.constant 0 : i32
        %dma_start3A_161 = arith.constant 0 : i32
        %dma_start3A_162 = tpu.memref_slice %arg6[%dma_start3A_148, %dma_start3A_160, %dma_start3A_161] : memref<3x512x64xf32, #tpu.memory_space<vmem>> -> memref<1x512x64xf32, #tpu.memory_space<vmem>>
        %dma_start3A_163 = tpu.memref_squeeze %dma_start3A_162 : memref<1x512x64xf32, #tpu.memory_space<vmem>> -> memref<512x64xf32, #tpu.memory_space<vmem>>
        tpu.enqueue_dma source(%dma_start3A_163 : memref<512x64xf32, #tpu.memory_space<vmem>>) target(%dma_start3A_159 : memref<512x64xf32, #tpu.memory_space<hbm>>) target_semaphore(%dma_start3A_157 : memref<!tpu.dma_semaphore, #tpu.memory_space<semaphore_mem>>)
        %add3A_164 = arith.constant 3 : i32
        %add3A_165 = arith.addi %add3A_108, %add3A_164 : i32
        %lt3A_166 = arith.constant 50 : i32
        %lt3A_167 = arith.cmpi slt, %add3A_165, %lt3A_166 : i32
        %convert_element_type3A_168 = arith.extui %lt3A_167 : i1 to i32
        %cond3A_169 = arith.constant 0 : i32
        %cond3A_170 = arith.cmpi ne, %convert_element_type3A_168, %cond3A_169 : i32
        scf.if %cond3A_170 {
          %mul3A_171 = arith.constant 512 : i32
          %mul3A_172 = arith.muli %add3A_108, %mul3A_171 : i32
          %add3A_173 = arith.addi %mul3A_2, %mul3A_172 : i32
          %multiple_of3A_174 = tpu.assume_multiple %add3A_173, 512 : i32
          %dma_wait3A_175 = arith.constant 0 : i32
          %dma_wait3A_176 = arith.constant 0 : i32
          %dma_wait3A_177 = arith.constant 0 : i32
          %dma_wait3A_178 = arith.constant 0 : i32
          %dma_wait3A_179 = tpu.memref_slice %arg6[%dma_wait3A_175, %dma_wait3A_177, %dma_wait3A_178] : memref<3x512x64xf32, #tpu.memory_space<vmem>> -> memref<1x512x64xf32, #tpu.memory_space<vmem>>
          %dma_wait3A_180 = tpu.memref_squeeze %dma_wait3A_179 : memref<1x512x64xf32, #tpu.memory_space<vmem>> -> memref<512x64xf32, #tpu.memory_space<vmem>>
          %dma_wait3A_181 = arith.constant 0 : i32
          %dma_wait3A_182 = tpu.memref_slice %arg4[%multiple_of3A_174, %dma_wait3A_181] : memref<819200x64xf32, #tpu.memory_space<hbm>> -> memref<512x64xf32, #tpu.memory_space<hbm>>
          %dma_wait3A_183 = tpu.memref_slice %arg8[%dma_wait3A_176] : memref<3x!tpu.dma_semaphore, #tpu.memory_space<semaphore_mem>> -> memref<1x!tpu.dma_semaphore, #tpu.memory_space<semaphore_mem>>
          %dma_wait3A_184 = tpu.memref_squeeze %dma_wait3A_183 : memref<1x!tpu.dma_semaphore, #tpu.memory_space<semaphore_mem>> -> memref<!tpu.dma_semaphore, #tpu.memory_space<semaphore_mem>>
          %dma_wait3A_185 = arith.constant 0 : i32
          %dma_wait3A_186 = tpu.memref_slice %arg4[%multiple_of3A_174, %dma_wait3A_185] : memref<819200x64xf32, #tpu.memory_space<hbm>> -> memref<512x64xf32, #tpu.memory_space<hbm>>
          %dma_wait3A_187 = arith.constant 0 : i32
          %dma_wait3A_188 = arith.constant 0 : i32
          %dma_wait3A_189 = tpu.memref_slice %arg6[%dma_wait3A_175, %dma_wait3A_187, %dma_wait3A_188] : memref<3x512x64xf32, #tpu.memory_space<vmem>> -> memref<1x512x64xf32, #tpu.memory_space<vmem>>
          %dma_wait3A_190 = tpu.memref_squeeze %dma_wait3A_189 : memref<1x512x64xf32, #tpu.memory_space<vmem>> -> memref<512x64xf32, #tpu.memory_space<vmem>>
          tpu.wait_dma2 semaphore(%dma_wait3A_184 : memref<!tpu.dma_semaphore, #tpu.memory_space<semaphore_mem>>) src(%dma_wait3A_190 : memref<512x64xf32, #tpu.memory_space<vmem>>) dst(%dma_wait3A_186 : memref<512x64xf32, #tpu.memory_space<hbm>>)
          %mul3A_191 = arith.constant 512 : i32
          %mul3A_192 = arith.muli %add3A_165, %mul3A_191 : i32
          %multiple_of3A_193 = tpu.assume_multiple %mul3A_192, 512 : i32
          %dma_start3A_194 = arith.constant 0 : i32
          %dma_start3A_195 = arith.constant 0 : i32
          %dma_start3A_196 = arith.constant 0 : i32
          %dma_start3A_197 = arith.constant 0 : i32
          %dma_start3A_198 = tpu.memref_slice %arg6[%dma_start3A_194, %dma_start3A_196, %dma_start3A_197] : memref<3x512x64xf32, #tpu.memory_space<vmem>> -> memref<1x512x64xf32, #tpu.memory_space<vmem>>
          %dma_start3A_199 = tpu.memref_squeeze %dma_start3A_198 : memref<1x512x64xf32, #tpu.memory_space<vmem>> -> memref<512x64xf32, #tpu.memory_space<vmem>>
          %dma_start3A_200 = tpu.memref_slice %arg5[%multiple_of3A_193] : memref<25600xi32, #tpu.memory_space<vmem>> -> memref<512xi32, #tpu.memory_space<vmem>>
          %dma_start3A_201 = arith.constant 0 : i32
          %dma_start3A_202 = arith.constant 0 : i32
          %dma_start3A_203 = tpu.memref_slice %arg2[%dma_start3A_201, %dma_start3A_202] : memref<1000000x64xf32, #tpu.memory_space<hbm>> -> memref<1000000x64xf32, #tpu.memory_space<hbm>>
          %dma_start3A_204 = tpu.memref_slice %arg7[%dma_start3A_195] : memref<3x!tpu.dma_semaphore, #tpu.memory_space<semaphore_mem>> -> memref<1x!tpu.dma_semaphore, #tpu.memory_space<semaphore_mem>>
          %dma_start3A_205 = tpu.memref_squeeze %dma_start3A_204 : memref<1x!tpu.dma_semaphore, #tpu.memory_space<semaphore_mem>> -> memref<!tpu.dma_semaphore, #tpu.memory_space<semaphore_mem>>
          tpu.enqueue_indirect_dma source(%dma_start3A_203 : memref<1000000x64xf32, #tpu.memory_space<hbm>>) target(%dma_start3A_199 : memref<512x64xf32, #tpu.memory_space<vmem>>) offsets(%dma_start3A_200 : memref<512xi32, #tpu.memory_space<vmem>>) semaphore(%dma_start3A_205 : memref<!tpu.dma_semaphore, #tpu.memory_space<semaphore_mem>>)
        } else {
        }
      } else {
      }
      %mul3A_111 = arith.constant 3 : i32
      %mul3A_112 = arith.muli %scan3A_104, %mul3A_111 : i32
      %add3A_113 = arith.constant 1 : i32
      %add3A_114 = arith.addi %mul3A_112, %add3A_113 : i32
      %lt3A_115 = arith.constant 50 : i32
      %lt3A_116 = arith.cmpi slt, %add3A_114, %lt3A_115 : i32
      %convert_element_type3A_117 = arith.extui %lt3A_116 : i1 to i32
      %cond3A_118 = arith.constant 0 : i32
      %cond3A_119 = arith.cmpi ne, %convert_element_type3A_117, %cond3A_118 : i32
      scf.if %cond3A_119 {
        %mul3A_129 = arith.constant 512 : i32
        %mul3A_130 = arith.muli %add3A_114, %mul3A_129 : i32
        %multiple_of3A_131 = tpu.assume_multiple %mul3A_130, 512 : i32
        %dma_wait3A_132 = arith.constant 1 : i32
        %dma_wait3A_133 = arith.constant 1 : i32
        %dma_wait3A_134 = arith.constant 0 : i32
        %dma_wait3A_135 = arith.constant 0 : i32
        %dma_wait3A_136 = tpu.memref_slice %arg6[%dma_wait3A_132, %dma_wait3A_134, %dma_wait3A_135] : memref<3x512x64xf32, #tpu.memory_space<vmem>> -> memref<1x512x64xf32, #tpu.memory_space<vmem>>
        %dma_wait3A_137 = tpu.memref_squeeze %dma_wait3A_136 : memref<1x512x64xf32, #tpu.memory_space<vmem>> -> memref<512x64xf32, #tpu.memory_space<vmem>>
        %dma_wait3A_138 = tpu.memref_slice %arg5[%multiple_of3A_131] : memref<25600xi32, #tpu.memory_space<vmem>> -> memref<512xi32, #tpu.memory_space<vmem>>
        %dma_wait3A_139 = arith.constant 0 : i32
        %dma_wait3A_140 = arith.constant 0 : i32
        %dma_wait3A_141 = tpu.memref_slice %arg2[%dma_wait3A_139, %dma_wait3A_140] : memref<1000000x64xf32, #tpu.memory_space<hbm>> -> memref<1000000x64xf32, #tpu.memory_space<hbm>>
        %dma_wait3A_142 = tpu.memref_slice %arg7[%dma_wait3A_133] : memref<3x!tpu.dma_semaphore, #tpu.memory_space<semaphore_mem>> -> memref<1x!tpu.dma_semaphore, #tpu.memory_space<semaphore_mem>>
        %dma_wait3A_143 = tpu.memref_squeeze %dma_wait3A_142 : memref<1x!tpu.dma_semaphore, #tpu.memory_space<semaphore_mem>> -> memref<!tpu.dma_semaphore, #tpu.memory_space<semaphore_mem>>
        tpu.wait_indirect_dma semaphore(%dma_wait3A_143 : memref<!tpu.dma_semaphore, #tpu.memory_space<semaphore_mem>>) src(%dma_wait3A_141 : memref<1000000x64xf32, #tpu.memory_space<hbm>>) dst(%dma_wait3A_137 : memref<512x64xf32, #tpu.memory_space<vmem>>)
        %mul3A_144 = arith.constant 512 : i32
        %mul3A_145 = arith.muli %add3A_114, %mul3A_144 : i32
        %add3A_146 = arith.addi %mul3A_2, %mul3A_145 : i32
        %multiple_of3A_147 = tpu.assume_multiple %add3A_146, 512 : i32
        %dma_start3A_148 = arith.constant 1 : i32
        %dma_start3A_149 = arith.constant 1 : i32
        %dma_start3A_150 = arith.constant 0 : i32
        %dma_start3A_151 = arith.constant 0 : i32
        %dma_start3A_152 = tpu.memref_slice %arg6[%dma_start3A_148, %dma_start3A_150, %dma_start3A_151] : memref<3x512x64xf32, #tpu.memory_space<vmem>> -> memref<1x512x64xf32, #tpu.memory_space<vmem>>
        %dma_start3A_153 = tpu.memref_squeeze %dma_start3A_152 : memref<1x512x64xf32, #tpu.memory_space<vmem>> -> memref<512x64xf32, #tpu.memory_space<vmem>>
        %dma_start3A_154 = arith.constant 0 : i32
        %dma_start3A_155 = tpu.memref_slice %arg4[%multiple_of3A_147, %dma_start3A_154] : memref<819200x64xf32, #tpu.memory_space<hbm>> -> memref<512x64xf32, #tpu.memory_space<hbm>>
        %dma_start3A_156 = tpu.memref_slice %arg8[%dma_start3A_149] : memref<3x!tpu.dma_semaphore, #tpu.memory_space<semaphore_mem>> -> memref<1x!tpu.dma_semaphore, #tpu.memory_space<semaphore_mem>>
        %dma_start3A_157 = tpu.memref_squeeze %dma_start3A_156 : memref<1x!tpu.dma_semaphore, #tpu.memory_space<semaphore_mem>> -> memref<!tpu.dma_semaphore, #tpu.memory_space<semaphore_mem>>
        %dma_start3A_158 = arith.constant 0 : i32
        %dma_start3A_159 = tpu.memref_slice %arg4[%multiple_of3A_147, %dma_start3A_158] : memref<819200x64xf32, #tpu.memory_space<hbm>> -> memref<512x64xf32, #tpu.memory_space<hbm>>
        %dma_start3A_160 = arith.constant 0 : i32
        %dma_start3A_161 = arith.constant 0 : i32
        %dma_start3A_162 = tpu.memref_slice %arg6[%dma_start3A_148, %dma_start3A_160, %dma_start3A_161] : memref<3x512x64xf32, #tpu.memory_space<vmem>> -> memref<1x512x64xf32, #tpu.memory_space<vmem>>
        %dma_start3A_163 = tpu.memref_squeeze %dma_start3A_162 : memref<1x512x64xf32, #tpu.memory_space<vmem>> -> memref<512x64xf32, #tpu.memory_space<vmem>>
        tpu.enqueue_dma source(%dma_start3A_163 : memref<512x64xf32, #tpu.memory_space<vmem>>) target(%dma_start3A_159 : memref<512x64xf32, #tpu.memory_space<hbm>>) target_semaphore(%dma_start3A_157 : memref<!tpu.dma_semaphore, #tpu.memory_space<semaphore_mem>>)
        %add3A_164 = arith.constant 3 : i32
        %add3A_165 = arith.addi %add3A_114, %add3A_164 : i32
        %lt3A_166 = arith.constant 50 : i32
        %lt3A_167 = arith.cmpi slt, %add3A_165, %lt3A_166 : i32
        %convert_element_type3A_168 = arith.extui %lt3A_167 : i1 to i32
        %cond3A_169 = arith.constant 0 : i32
        %cond3A_170 = arith.cmpi ne, %convert_element_type3A_168, %cond3A_169 : i32
        scf.if %cond3A_170 {
          %mul3A_171 = arith.constant 512 : i32
          %mul3A_172 = arith.muli %add3A_114, %mul3A_171 : i32
          %add3A_173 = arith.addi %mul3A_2, %mul3A_172 : i32
          %multiple_of3A_174 = tpu.assume_multiple %add3A_173, 512 : i32
          %dma_wait3A_175 = arith.constant 1 : i32
          %dma_wait3A_176 = arith.constant 1 : i32
          %dma_wait3A_177 = arith.constant 0 : i32
          %dma_wait3A_178 = arith.constant 0 : i32
          %dma_wait3A_179 = tpu.memref_slice %arg6[%dma_wait3A_175, %dma_wait3A_177, %dma_wait3A_178] : memref<3x512x64xf32, #tpu.memory_space<vmem>> -> memref<1x512x64xf32, #tpu.memory_space<vmem>>
          %dma_wait3A_180 = tpu.memref_squeeze %dma_wait3A_179 : memref<1x512x64xf32, #tpu.memory_space<vmem>> -> memref<512x64xf32, #tpu.memory_space<vmem>>
          %dma_wait3A_181 = arith.constant 0 : i32
          %dma_wait3A_182 = tpu.memref_slice %arg4[%multiple_of3A_174, %dma_wait3A_181] : memref<819200x64xf32, #tpu.memory_space<hbm>> -> memref<512x64xf32, #tpu.memory_space<hbm>>
          %dma_wait3A_183 = tpu.memref_slice %arg8[%dma_wait3A_176] : memref<3x!tpu.dma_semaphore, #tpu.memory_space<semaphore_mem>> -> memref<1x!tpu.dma_semaphore, #tpu.memory_space<semaphore_mem>>
          %dma_wait3A_184 = tpu.memref_squeeze %dma_wait3A_183 : memref<1x!tpu.dma_semaphore, #tpu.memory_space<semaphore_mem>> -> memref<!tpu.dma_semaphore, #tpu.memory_space<semaphore_mem>>
          %dma_wait3A_185 = arith.constant 0 : i32
          %dma_wait3A_186 = tpu.memref_slice %arg4[%multiple_of3A_174, %dma_wait3A_185] : memref<819200x64xf32, #tpu.memory_space<hbm>> -> memref<512x64xf32, #tpu.memory_space<hbm>>
          %dma_wait3A_187 = arith.constant 0 : i32
          %dma_wait3A_188 = arith.constant 0 : i32
          %dma_wait3A_189 = tpu.memref_slice %arg6[%dma_wait3A_175, %dma_wait3A_187, %dma_wait3A_188] : memref<3x512x64xf32, #tpu.memory_space<vmem>> -> memref<1x512x64xf32, #tpu.memory_space<vmem>>
          %dma_wait3A_190 = tpu.memref_squeeze %dma_wait3A_189 : memref<1x512x64xf32, #tpu.memory_space<vmem>> -> memref<512x64xf32, #tpu.memory_space<vmem>>
          tpu.wait_dma2 semaphore(%dma_wait3A_184 : memref<!tpu.dma_semaphore, #tpu.memory_space<semaphore_mem>>) src(%dma_wait3A_190 : memref<512x64xf32, #tpu.memory_space<vmem>>) dst(%dma_wait3A_186 : memref<512x64xf32, #tpu.memory_space<hbm>>)
          %mul3A_191 = arith.constant 512 : i32
          %mul3A_192 = arith.muli %add3A_165, %mul3A_191 : i32
          %multiple_of3A_193 = tpu.assume_multiple %mul3A_192, 512 : i32
          %dma_start3A_194 = arith.constant 1 : i32
          %dma_start3A_195 = arith.constant 1 : i32
          %dma_start3A_196 = arith.constant 0 : i32
          %dma_start3A_197 = arith.constant 0 : i32
          %dma_start3A_198 = tpu.memref_slice %arg6[%dma_start3A_194, %dma_start3A_196, %dma_start3A_197] : memref<3x512x64xf32, #tpu.memory_space<vmem>> -> memref<1x512x64xf32, #tpu.memory_space<vmem>>
          %dma_start3A_199 = tpu.memref_squeeze %dma_start3A_198 : memref<1x512x64xf32, #tpu.memory_space<vmem>> -> memref<512x64xf32, #tpu.memory_space<vmem>>
          %dma_start3A_200 = tpu.memref_slice %arg5[%multiple_of3A_193] : memref<25600xi32, #tpu.memory_space<vmem>> -> memref<512xi32, #tpu.memory_space<vmem>>
          %dma_start3A_201 = arith.constant 0 : i32
          %dma_start3A_202 = arith.constant 0 : i32
          %dma_start3A_203 = tpu.memref_slice %arg2[%dma_start3A_201, %dma_start3A_202] : memref<1000000x64xf32, #tpu.memory_space<hbm>> -> memref<1000000x64xf32, #tpu.memory_space<hbm>>
          %dma_start3A_204 = tpu.memref_slice %arg7[%dma_start3A_195] : memref<3x!tpu.dma_semaphore, #tpu.memory_space<semaphore_mem>> -> memref<1x!tpu.dma_semaphore, #tpu.memory_space<semaphore_mem>>
          %dma_start3A_205 = tpu.memref_squeeze %dma_start3A_204 : memref<1x!tpu.dma_semaphore, #tpu.memory_space<semaphore_mem>> -> memref<!tpu.dma_semaphore, #tpu.memory_space<semaphore_mem>>
          tpu.enqueue_indirect_dma source(%dma_start3A_203 : memref<1000000x64xf32, #tpu.memory_space<hbm>>) target(%dma_start3A_199 : memref<512x64xf32, #tpu.memory_space<vmem>>) offsets(%dma_start3A_200 : memref<512xi32, #tpu.memory_space<vmem>>) semaphore(%dma_start3A_205 : memref<!tpu.dma_semaphore, #tpu.memory_space<semaphore_mem>>)
        } else {
        }
      } else {
      }
      %mul3A_120 = arith.constant 3 : i32
      %mul3A_121 = arith.muli %scan3A_104, %mul3A_120 : i32
      %add3A_122 = arith.constant 2 : i32
      %add3A_123 = arith.addi %mul3A_121, %add3A_122 : i32
      %lt3A_124 = arith.constant 50 : i32
      %lt3A_125 = arith.cmpi slt, %add3A_123, %lt3A_124 : i32
      %convert_element_type3A_126 = arith.extui %lt3A_125 : i1 to i32
      %cond3A_127 = arith.constant 0 : i32
      %cond3A_128 = arith.cmpi ne, %convert_element_type3A_126, %cond3A_127 : i32
      scf.if %cond3A_128 {
        %mul3A_129 = arith.constant 512 : i32
        %mul3A_130 = arith.muli %add3A_123, %mul3A_129 : i32
        %multiple_of3A_131 = tpu.assume_multiple %mul3A_130, 512 : i32
        %dma_wait3A_132 = arith.constant 2 : i32
        %dma_wait3A_133 = arith.constant 2 : i32
        %dma_wait3A_134 = arith.constant 0 : i32
        %dma_wait3A_135 = arith.constant 0 : i32
        %dma_wait3A_136 = tpu.memref_slice %arg6[%dma_wait3A_132, %dma_wait3A_134, %dma_wait3A_135] : memref<3x512x64xf32, #tpu.memory_space<vmem>> -> memref<1x512x64xf32, #tpu.memory_space<vmem>>
        %dma_wait3A_137 = tpu.memref_squeeze %dma_wait3A_136 : memref<1x512x64xf32, #tpu.memory_space<vmem>> -> memref<512x64xf32, #tpu.memory_space<vmem>>
        %dma_wait3A_138 = tpu.memref_slice %arg5[%multiple_of3A_131] : memref<25600xi32, #tpu.memory_space<vmem>> -> memref<512xi32, #tpu.memory_space<vmem>>
        %dma_wait3A_139 = arith.constant 0 : i32
        %dma_wait3A_140 = arith.constant 0 : i32
        %dma_wait3A_141 = tpu.memref_slice %arg2[%dma_wait3A_139, %dma_wait3A_140] : memref<1000000x64xf32, #tpu.memory_space<hbm>> -> memref<1000000x64xf32, #tpu.memory_space<hbm>>
        %dma_wait3A_142 = tpu.memref_slice %arg7[%dma_wait3A_133] : memref<3x!tpu.dma_semaphore, #tpu.memory_space<semaphore_mem>> -> memref<1x!tpu.dma_semaphore, #tpu.memory_space<semaphore_mem>>
        %dma_wait3A_143 = tpu.memref_squeeze %dma_wait3A_142 : memref<1x!tpu.dma_semaphore, #tpu.memory_space<semaphore_mem>> -> memref<!tpu.dma_semaphore, #tpu.memory_space<semaphore_mem>>
        tpu.wait_indirect_dma semaphore(%dma_wait3A_143 : memref<!tpu.dma_semaphore, #tpu.memory_space<semaphore_mem>>) src(%dma_wait3A_141 : memref<1000000x64xf32, #tpu.memory_space<hbm>>) dst(%dma_wait3A_137 : memref<512x64xf32, #tpu.memory_space<vmem>>)
        %mul3A_144 = arith.constant 512 : i32
        %mul3A_145 = arith.muli %add3A_123, %mul3A_144 : i32
        %add3A_146 = arith.addi %mul3A_2, %mul3A_145 : i32
        %multiple_of3A_147 = tpu.assume_multiple %add3A_146, 512 : i32
        %dma_start3A_148 = arith.constant 2 : i32
        %dma_start3A_149 = arith.constant 2 : i32
        %dma_start3A_150 = arith.constant 0 : i32
        %dma_start3A_151 = arith.constant 0 : i32
        %dma_start3A_152 = tpu.memref_slice %arg6[%dma_start3A_148, %dma_start3A_150, %dma_start3A_151] : memref<3x512x64xf32, #tpu.memory_space<vmem>> -> memref<1x512x64xf32, #tpu.memory_space<vmem>>
        %dma_start3A_153 = tpu.memref_squeeze %dma_start3A_152 : memref<1x512x64xf32, #tpu.memory_space<vmem>> -> memref<512x64xf32, #tpu.memory_space<vmem>>
        %dma_start3A_154 = arith.constant 0 : i32
        %dma_start3A_155 = tpu.memref_slice %arg4[%multiple_of3A_147, %dma_start3A_154] : memref<819200x64xf32, #tpu.memory_space<hbm>> -> memref<512x64xf32, #tpu.memory_space<hbm>>
        %dma_start3A_156 = tpu.memref_slice %arg8[%dma_start3A_149] : memref<3x!tpu.dma_semaphore, #tpu.memory_space<semaphore_mem>> -> memref<1x!tpu.dma_semaphore, #tpu.memory_space<semaphore_mem>>
        %dma_start3A_157 = tpu.memref_squeeze %dma_start3A_156 : memref<1x!tpu.dma_semaphore, #tpu.memory_space<semaphore_mem>> -> memref<!tpu.dma_semaphore, #tpu.memory_space<semaphore_mem>>
        %dma_start3A_158 = arith.constant 0 : i32
        %dma_start3A_159 = tpu.memref_slice %arg4[%multiple_of3A_147, %dma_start3A_158] : memref<819200x64xf32, #tpu.memory_space<hbm>> -> memref<512x64xf32, #tpu.memory_space<hbm>>
        %dma_start3A_160 = arith.constant 0 : i32
        %dma_start3A_161 = arith.constant 0 : i32
        %dma_start3A_162 = tpu.memref_slice %arg6[%dma_start3A_148, %dma_start3A_160, %dma_start3A_161] : memref<3x512x64xf32, #tpu.memory_space<vmem>> -> memref<1x512x64xf32, #tpu.memory_space<vmem>>
        %dma_start3A_163 = tpu.memref_squeeze %dma_start3A_162 : memref<1x512x64xf32, #tpu.memory_space<vmem>> -> memref<512x64xf32, #tpu.memory_space<vmem>>
        tpu.enqueue_dma source(%dma_start3A_163 : memref<512x64xf32, #tpu.memory_space<vmem>>) target(%dma_start3A_159 : memref<512x64xf32, #tpu.memory_space<hbm>>) target_semaphore(%dma_start3A_157 : memref<!tpu.dma_semaphore, #tpu.memory_space<semaphore_mem>>)
        %add3A_164 = arith.constant 3 : i32
        %add3A_165 = arith.addi %add3A_123, %add3A_164 : i32
        %lt3A_166 = arith.constant 50 : i32
        %lt3A_167 = arith.cmpi slt, %add3A_165, %lt3A_166 : i32
        %convert_element_type3A_168 = arith.extui %lt3A_167 : i1 to i32
        %cond3A_169 = arith.constant 0 : i32
        %cond3A_170 = arith.cmpi ne, %convert_element_type3A_168, %cond3A_169 : i32
        scf.if %cond3A_170 {
          %mul3A_171 = arith.constant 512 : i32
          %mul3A_172 = arith.muli %add3A_123, %mul3A_171 : i32
          %add3A_173 = arith.addi %mul3A_2, %mul3A_172 : i32
          %multiple_of3A_174 = tpu.assume_multiple %add3A_173, 512 : i32
          %dma_wait3A_175 = arith.constant 2 : i32
          %dma_wait3A_176 = arith.constant 2 : i32
          %dma_wait3A_177 = arith.constant 0 : i32
          %dma_wait3A_178 = arith.constant 0 : i32
          %dma_wait3A_179 = tpu.memref_slice %arg6[%dma_wait3A_175, %dma_wait3A_177, %dma_wait3A_178] : memref<3x512x64xf32, #tpu.memory_space<vmem>> -> memref<1x512x64xf32, #tpu.memory_space<vmem>>
          %dma_wait3A_180 = tpu.memref_squeeze %dma_wait3A_179 : memref<1x512x64xf32, #tpu.memory_space<vmem>> -> memref<512x64xf32, #tpu.memory_space<vmem>>
          %dma_wait3A_181 = arith.constant 0 : i32
          %dma_wait3A_182 = tpu.memref_slice %arg4[%multiple_of3A_174, %dma_wait3A_181] : memref<819200x64xf32, #tpu.memory_space<hbm>> -> memref<512x64xf32, #tpu.memory_space<hbm>>
          %dma_wait3A_183 = tpu.memref_slice %arg8[%dma_wait3A_176] : memref<3x!tpu.dma_semaphore, #tpu.memory_space<semaphore_mem>> -> memref<1x!tpu.dma_semaphore, #tpu.memory_space<semaphore_mem>>
          %dma_wait3A_184 = tpu.memref_squeeze %dma_wait3A_183 : memref<1x!tpu.dma_semaphore, #tpu.memory_space<semaphore_mem>> -> memref<!tpu.dma_semaphore, #tpu.memory_space<semaphore_mem>>
          %dma_wait3A_185 = arith.constant 0 : i32
          %dma_wait3A_186 = tpu.memref_slice %arg4[%multiple_of3A_174, %dma_wait3A_185] : memref<819200x64xf32, #tpu.memory_space<hbm>> -> memref<512x64xf32, #tpu.memory_space<hbm>>
          %dma_wait3A_187 = arith.constant 0 : i32
          %dma_wait3A_188 = arith.constant 0 : i32
          %dma_wait3A_189 = tpu.memref_slice %arg6[%dma_wait3A_175, %dma_wait3A_187, %dma_wait3A_188] : memref<3x512x64xf32, #tpu.memory_space<vmem>> -> memref<1x512x64xf32, #tpu.memory_space<vmem>>
          %dma_wait3A_190 = tpu.memref_squeeze %dma_wait3A_189 : memref<1x512x64xf32, #tpu.memory_space<vmem>> -> memref<512x64xf32, #tpu.memory_space<vmem>>
          tpu.wait_dma2 semaphore(%dma_wait3A_184 : memref<!tpu.dma_semaphore, #tpu.memory_space<semaphore_mem>>) src(%dma_wait3A_190 : memref<512x64xf32, #tpu.memory_space<vmem>>) dst(%dma_wait3A_186 : memref<512x64xf32, #tpu.memory_space<hbm>>)
          %mul3A_191 = arith.constant 512 : i32
          %mul3A_192 = arith.muli %add3A_165, %mul3A_191 : i32
          %multiple_of3A_193 = tpu.assume_multiple %mul3A_192, 512 : i32
          %dma_start3A_194 = arith.constant 2 : i32
          %dma_start3A_195 = arith.constant 2 : i32
          %dma_start3A_196 = arith.constant 0 : i32
          %dma_start3A_197 = arith.constant 0 : i32
          %dma_start3A_198 = tpu.memref_slice %arg6[%dma_start3A_194, %dma_start3A_196, %dma_start3A_197] : memref<3x512x64xf32, #tpu.memory_space<vmem>> -> memref<1x512x64xf32, #tpu.memory_space<vmem>>
          %dma_start3A_199 = tpu.memref_squeeze %dma_start3A_198 : memref<1x512x64xf32, #tpu.memory_space<vmem>> -> memref<512x64xf32, #tpu.memory_space<vmem>>
          %dma_start3A_200 = tpu.memref_slice %arg5[%multiple_of3A_193] : memref<25600xi32, #tpu.memory_space<vmem>> -> memref<512xi32, #tpu.memory_space<vmem>>
          %dma_start3A_201 = arith.constant 0 : i32
          %dma_start3A_202 = arith.constant 0 : i32
          %dma_start3A_203 = tpu.memref_slice %arg2[%dma_start3A_201, %dma_start3A_202] : memref<1000000x64xf32, #tpu.memory_space<hbm>> -> memref<1000000x64xf32, #tpu.memory_space<hbm>>
          %dma_start3A_204 = tpu.memref_slice %arg7[%dma_start3A_195] : memref<3x!tpu.dma_semaphore, #tpu.memory_space<semaphore_mem>> -> memref<1x!tpu.dma_semaphore, #tpu.memory_space<semaphore_mem>>
          %dma_start3A_205 = tpu.memref_squeeze %dma_start3A_204 : memref<1x!tpu.dma_semaphore, #tpu.memory_space<semaphore_mem>> -> memref<!tpu.dma_semaphore, #tpu.memory_space<semaphore_mem>>
          tpu.enqueue_indirect_dma source(%dma_start3A_203 : memref<1000000x64xf32, #tpu.memory_space<hbm>>) target(%dma_start3A_199 : memref<512x64xf32, #tpu.memory_space<vmem>>) offsets(%dma_start3A_200 : memref<512xi32, #tpu.memory_space<vmem>>) semaphore(%dma_start3A_205 : memref<!tpu.dma_semaphore, #tpu.memory_space<semaphore_mem>>)
        } else {
        }
      } else {
      }
    }
    %scan3A_47 = arith.constant 17 : i32
    %add3A_48 = arith.constant 24576 : i32
    %add3A_49 = arith.addi %mul3A_2, %add3A_48 : i32
    %multiple_of3A_50 = tpu.assume_multiple %add3A_49, 512 : i32
    %dma_wait3A = arith.constant 0 : i32
    %dma_wait3A_51 = arith.constant 0 : i32
    %dma_wait3A_52 = arith.constant 0 : i32
    %dma_wait3A_53 = arith.constant 0 : i32
    %dma_wait3A_54 = tpu.memref_slice %arg6[%dma_wait3A, %dma_wait3A_52, %dma_wait3A_53] : memref<3x512x64xf32, #tpu.memory_space<vmem>> -> memref<1x512x64xf32, #tpu.memory_space<vmem>>
    %dma_wait3A_55 = tpu.memref_squeeze %dma_wait3A_54 : memref<1x512x64xf32, #tpu.memory_space<vmem>> -> memref<512x64xf32, #tpu.memory_space<vmem>>
    %dma_wait3A_56 = arith.constant 0 : i32
    %dma_wait3A_57 = tpu.memref_slice %arg4[%multiple_of3A_50, %dma_wait3A_56] : memref<819200x64xf32, #tpu.memory_space<hbm>> -> memref<512x64xf32, #tpu.memory_space<hbm>>
    %dma_wait3A_58 = tpu.memref_slice %arg8[%dma_wait3A_51] : memref<3x!tpu.dma_semaphore, #tpu.memory_space<semaphore_mem>> -> memref<1x!tpu.dma_semaphore, #tpu.memory_space<semaphore_mem>>
    %dma_wait3A_59 = tpu.memref_squeeze %dma_wait3A_58 : memref<1x!tpu.dma_semaphore, #tpu.memory_space<semaphore_mem>> -> memref<!tpu.dma_semaphore, #tpu.memory_space<semaphore_mem>>
    %dma_wait3A_60 = arith.constant 0 : i32
    %dma_wait3A_61 = tpu.memref_slice %arg4[%multiple_of3A_50, %dma_wait3A_60] : memref<819200x64xf32, #tpu.memory_space<hbm>> -> memref<512x64xf32, #tpu.memory_space<hbm>>
    %dma_wait3A_62 = arith.constant 0 : i32
    %dma_wait3A_63 = arith.constant 0 : i32
    %dma_wait3A_64 = tpu.memref_slice %arg6[%dma_wait3A, %dma_wait3A_62, %dma_wait3A_63] : memref<3x512x64xf32, #tpu.memory_space<vmem>> -> memref<1x512x64xf32, #tpu.memory_space<vmem>>
    %dma_wait3A_65 = tpu.memref_squeeze %dma_wait3A_64 : memref<1x512x64xf32, #tpu.memory_space<vmem>> -> memref<512x64xf32, #tpu.memory_space<vmem>>
    tpu.wait_dma2 semaphore(%dma_wait3A_59 : memref<!tpu.dma_semaphore, #tpu.memory_space<semaphore_mem>>) src(%dma_wait3A_65 : memref<512x64xf32, #tpu.memory_space<vmem>>) dst(%dma_wait3A_61 : memref<512x64xf32, #tpu.memory_space<hbm>>)
    %add3A_66 = arith.constant 25088 : i32
    %add3A_67 = arith.addi %mul3A_2, %add3A_66 : i32
    %multiple_of3A_68 = tpu.assume_multiple %add3A_67, 512 : i32
    %dma_wait3A_69 = arith.constant 1 : i32
    %dma_wait3A_70 = arith.constant 1 : i32
    %dma_wait3A_71 = arith.constant 0 : i32
    %dma_wait3A_72 = arith.constant 0 : i32
    %dma_wait3A_73 = tpu.memref_slice %arg6[%dma_wait3A_69, %dma_wait3A_71, %dma_wait3A_72] : memref<3x512x64xf32, #tpu.memory_space<vmem>> -> memref<1x512x64xf32, #tpu.memory_space<vmem>>
    %dma_wait3A_74 = tpu.memref_squeeze %dma_wait3A_73 : memref<1x512x64xf32, #tpu.memory_space<vmem>> -> memref<512x64xf32, #tpu.memory_space<vmem>>
    %dma_wait3A_75 = arith.constant 0 : i32
    %dma_wait3A_76 = tpu.memref_slice %arg4[%multiple_of3A_68, %dma_wait3A_75] : memref<819200x64xf32, #tpu.memory_space<hbm>> -> memref<512x64xf32, #tpu.memory_space<hbm>>
    %dma_wait3A_77 = tpu.memref_slice %arg8[%dma_wait3A_70] : memref<3x!tpu.dma_semaphore, #tpu.memory_space<semaphore_mem>> -> memref<1x!tpu.dma_semaphore, #tpu.memory_space<semaphore_mem>>
    %dma_wait3A_78 = tpu.memref_squeeze %dma_wait3A_77 : memref<1x!tpu.dma_semaphore, #tpu.memory_space<semaphore_mem>> -> memref<!tpu.dma_semaphore, #tpu.memory_space<semaphore_mem>>
    %dma_wait3A_79 = arith.constant 0 : i32
    %dma_wait3A_80 = tpu.memref_slice %arg4[%multiple_of3A_68, %dma_wait3A_79] : memref<819200x64xf32, #tpu.memory_space<hbm>> -> memref<512x64xf32, #tpu.memory_space<hbm>>
    %dma_wait3A_81 = arith.constant 0 : i32
    %dma_wait3A_82 = arith.constant 0 : i32
    %dma_wait3A_83 = tpu.memref_slice %arg6[%dma_wait3A_69, %dma_wait3A_81, %dma_wait3A_82] : memref<3x512x64xf32, #tpu.memory_space<vmem>> -> memref<1x512x64xf32, #tpu.memory_space<vmem>>
    %dma_wait3A_84 = tpu.memref_squeeze %dma_wait3A_83 : memref<1x512x64xf32, #tpu.memory_space<vmem>> -> memref<512x64xf32, #tpu.memory_space<vmem>>
    tpu.wait_dma2 semaphore(%dma_wait3A_78 : memref<!tpu.dma_semaphore, #tpu.memory_space<semaphore_mem>>) src(%dma_wait3A_84 : memref<512x64xf32, #tpu.memory_space<vmem>>) dst(%dma_wait3A_80 : memref<512x64xf32, #tpu.memory_space<hbm>>)
    %add3A_85 = arith.constant 24064 : i32
    %add3A_86 = arith.addi %mul3A_2, %add3A_85 : i32
    %multiple_of3A_87 = tpu.assume_multiple %add3A_86, 512 : i32
    %dma_wait3A_88 = arith.constant 2 : i32
    %dma_wait3A_89 = arith.constant 2 : i32
    %dma_wait3A_90 = arith.constant 0 : i32
    %dma_wait3A_91 = arith.constant 0 : i32
    %dma_wait3A_92 = tpu.memref_slice %arg6[%dma_wait3A_88, %dma_wait3A_90, %dma_wait3A_91] : memref<3x512x64xf32, #tpu.memory_space<vmem>> -> memref<1x512x64xf32, #tpu.memory_space<vmem>>
    %dma_wait3A_93 = tpu.memref_squeeze %dma_wait3A_92 : memref<1x512x64xf32, #tpu.memory_space<vmem>> -> memref<512x64xf32, #tpu.memory_space<vmem>>
    %dma_wait3A_94 = arith.constant 0 : i32
    %dma_wait3A_95 = tpu.memref_slice %arg4[%multiple_of3A_87, %dma_wait3A_94] : memref<819200x64xf32, #tpu.memory_space<hbm>> -> memref<512x64xf32, #tpu.memory_space<hbm>>
    %dma_wait3A_96 = tpu.memref_slice %arg8[%dma_wait3A_89] : memref<3x!tpu.dma_semaphore, #tpu.memory_space<semaphore_mem>> -> memref<1x!tpu.dma_semaphore, #tpu.memory_space<semaphore_mem>>
    %dma_wait3A_97 = tpu.memref_squeeze %dma_wait3A_96 : memref<1x!tpu.dma_semaphore, #tpu.memory_space<semaphore_mem>> -> memref<!tpu.dma_semaphore, #tpu.memory_space<semaphore_mem>>
    %dma_wait3A_98 = arith.constant 0 : i32
    %dma_wait3A_99 = tpu.memref_slice %arg4[%multiple_of3A_87, %dma_wait3A_98] : memref<819200x64xf32, #tpu.memory_space<hbm>> -> memref<512x64xf32, #tpu.memory_space<hbm>>
    %dma_wait3A_100 = arith.constant 0 : i32
    %dma_wait3A_101 = arith.constant 0 : i32
    %dma_wait3A_102 = tpu.memref_slice %arg6[%dma_wait3A_88, %dma_wait3A_100, %dma_wait3A_101] : memref<3x512x64xf32, #tpu.memory_space<vmem>> -> memref<1x512x64xf32, #tpu.memory_space<vmem>>
    %dma_wait3A_103 = tpu.memref_squeeze %dma_wait3A_102 : memref<1x512x64xf32, #tpu.memory_space<vmem>> -> memref<512x64xf32, #tpu.memory_space<vmem>>
    tpu.wait_dma2 semaphore(%dma_wait3A_97 : memref<!tpu.dma_semaphore, #tpu.memory_space<semaphore_mem>>) src(%dma_wait3A_103 : memref<512x64xf32, #tpu.memory_space<vmem>>) dst(%dma_wait3A_99 : memref<512x64xf32, #tpu.memory_space<hbm>>)
    return
  }
}

</mosaic_0001>

<sc_bundles>
// kernel: kernel.4.cloned.1.call-start
scs
__scs_entry_jumppad:
0x0: {  	(pc) =	sbr.rel $0x88, $3  }
0x1: {  	(tag) =	ssettag $0x0;
	lr =	simm.s32 $0x1  }
0x2: {  	[smem:$0x3F9F] =	sst lr;
	_ =	strace $0xD0000000  }
0x3: {  	_ = 	snop  }
0x4: {  	_ = 	snop  }
0x5: {  	_ = 	snop  }
0x6: {  	_ = 	snop  }
0x7: {  	_ = 	snop  }
__scs_overlays_trampoline_lowered:
0x8: {  	[smem:$0x3FAE] =	sst s0  }
0x9: {  	[smem:$0x3FAF] =	sst s1  }
0xa: {  	[smem:$0x3FB0] =	sst s2  }
0xb: {  	[smem:$0x3FB1] =	sst s3  }
0xc: {  	[smem:$0x3FB2] =	sst s4  }
0xd: {  	[smem:$0x3FB3] =	sst s5  }
0xe: {  	[smem:$0x3FB4] =	sst s6  }
0xf: {  	[smem:$0x3FB5] =	sst s7  }
0x10: {  	[smem:$0x3FB6] =	sst s8  }
0x11: {  	[smem:$0x3FB7] =	sst s9;
	s0 =	simm.s32 @!p0 $0x0  }
0x12: {  	s1 =	sld [smem:$0x3F9D];
	s0 =	simm.s32 @p0 $0x1  }
0x13: {  	[smem:$0x3FB8] =	sst s0;
	s0 =	simm.s32 @!p1 $0x0  }
0x14: {  	s2 =	sld [smem:$0x3F9C];
	s0 =	simm.s32 @p1 $0x1  }
0x15: {  	[smem:$0x3FB9] =	sst s0;
	s0 =	simm.s32 @!p2 $0x0  }
0x16: {  	s3 =	sld [smem:$0x3FDB];
	s0 =	simm.s32 @p2 $0x1  }
0x17: {  	s4 =	simm.s32 $0x1BF5;
	[smem:$0x3FBB] =	sst s0  }
0x18: {  	s0 =	sld [smem:$0x3F9E];
	_ =	swait.ge [sflag:s4], $0x0  }
0x19: {  	s7 =	sld [smem:$0x3F9F]  }
0x1a: {  	s8 =	sadd.s32 $0xFFFFE003, lr  }
0x1b: {  	s9 =	sadd.s32 $0xFFFFFEF7, lr;
	s5 =	simm.s32 $0xFFFFFFFF;
	p2 =	slt.u32 s8, $0xFFFFF086  }
0x1c: {  	p1 =	slt.u32 s9, $0xF7A;
	s5 =	simm.s32 @!p2 $0x0  }
0x1d: {  	s5 =	simm.s32 @p1 $0x1;
	p0 =	seq.s32 s7, s2  }
0x1e: {  	s7 =	smul.u32 @!p0 $0xF7A, s2;
	p2 =	seq.s32 @!p0 s5, $0x0  }
0x1f: {  	s9 =	smul.u32 $0xF7A, s1;
	s8 =	simm.s32 @!p0 $0x1BF5;
	p2 =	por !p2, p0  }
0x20: {  	[sflag:s8] =	ssyncset.s32 @!p0 $0xFFFFF086;
	s6 =	sadd.s32 @!p0 s3, s7;
	s7 =	simm.s32 @!p0 $0x108  }
0x21: {  	s3 =	sadd.s32 s3, s9;
	s6 =	sadd.s32 @!p0 $0x88, s6;
	s7 =	simm.s32 @p2 $0x1082  }
0x22: {  	[simem:s7], [sflag:s8] =	dma.local @!p0 [hbm:s6], $0xF7A  }
0x23: {  	s9 =	sor.u32 $0xD0000000, s2;
	s6 =	simm.s32 $0x108;
	_ =	swait.ge @!p0 [sflag:s8], $0x0  }
0x24: {  	s3 =	sadd.s32 $0x88, s3;
	s6 =	simm.s32 @!p1 $0x1082;
	[sflag:s4] =	ssyncset.s32 $0xFFFFF086  }
0x25: {  	[simem:s6], [sflag:s4] =	dma.local [hbm:s3], $0xF7A  }
0x26: {  	[smem:$0x3F9F] =	sst s1;
	(tag) =	ssettag s2;
	_ =	strace s9  }
0x27: {  	s1 =	sld [smem:$0x3FAF]  }
0x28: {  	s2 =	sld [smem:$0x3FB0]  }
0x29: {  	s4 =	sld [smem:$0x3FB2]  }
0x2a: {  	p0 =	seq.s32 s5, $0x0;
	s5 =	sld [smem:$0x3FB3]  }
0x2b: {  	s6 =	sld [smem:$0x3FB4]  }
0x2c: {  	s7 =	sld [smem:$0x3FB5]  }
0x2d: {  	s3 =	simm.s32 $0x108;
	s8 =	sld [smem:$0x3FB6]  }
0x2e: {  	s3 =	simm.s32 @!p0 $0x1082;
	s9 =	sld [smem:$0x3FB7]  }
0x2f: {  	lr =	sadd.s32 s0, s3;
	s0 =	sld [smem:$0x3FAE]  }
0x30: {  	s3 =	sld [smem:$0x3FB1]  }
0x31: {  	[smem:$0x3FBA] =	sst s10  }
0x32: {  	s10 =	sld [smem:$0x3FB8];
	_ =	sdelay $0x3  }
0x33: {  	p0 =	seq.s32 s10, $0x1;
	s10 =	sld [smem:$0x3FBA];
	_ =	sdelay $0x3  }
0x34: {  	[smem:$0x3FBA] =	sst s10  }
0x35: {  	s10 =	sld [smem:$0x3FB9];
	_ =	sdelay $0x3  }
0x36: {  	p1 =	seq.s32 s10, $0x1;
	s10 =	sld [smem:$0x3FBA];
	_ =	sdelay $0x3  }
0x37: {  	[smem:$0x3FBA] =	sst s10  }
0x38: {  	s10 =	sld [smem:$0x3FBB]  }
0x39: {  	_ = 	snop;
	(pc) =	sbr.ind lr, $3  }
0x3a: {  	_ = 	snop  }
0x3b: {  	_ = 	snop  }
0x3c: {  	p2 =	seq.s32 s10, $0x1;
	s10 =	sld [smem:$0x3FBA]  }
0x3d: {  	_ =	shalt  }
0x3e: {  	_ =	shalt  }
0x3f: {  	_ =	shalt  }
0x40: {  	_ =	shalt  }
0x41: {  	_ =	shalt  }
0x42: {  	_ =	shalt  }
0x43: {  	_ =	shalt  }
0x44: {  	_ =	shalt  }
0x45: {  	_ =	shalt  }
0x46: {  	_ =	shalt  }
0x47: {  	_ =	shalt  }
0x48: {  	_ =	shalt  }
0x49: {  	_ =	shalt  }
0x4a: {  	_ =	shalt  }
0x4b: {  	_ =	shalt  }
0x4c: {  	_ =	shalt  }
0x4d: {  	_ =	shalt  }
0x4e: {  	_ =	shalt  }
0x4f: {  	_ =	shalt  }
0x50: {  	_ =	shalt  }
0x51: {  	_ =	shalt  }
0x52: {  	_ =	shalt  }
0x53: {  	_ =	shalt  }
0x54: {  	_ =	shalt  }
0x55: {  	_ =	shalt  }
0x56: {  	_ =	shalt  }
0x57: {  	_ =	shalt  }
0x58: {  	_ =	shalt  }
0x59: {  	_ =	shalt  }
0x5a: {  	_ =	shalt  }
0x5b: {  	_ =	shalt  }
0x5c: {  	_ =	shalt  }
0x5d: {  	_ =	shalt  }
0x5e: {  	_ =	shalt  }
0x5f: {  	_ =	shalt  }
0x60: {  	_ =	shalt  }
0x61: {  	_ =	shalt  }
0x62: {  	_ =	shalt  }
0x63: {  	_ =	shalt  }
0x64: {  	_ =	shalt  }
0x65: {  	_ =	shalt  }
0x66: {  	_ =	shalt  }
0x67: {  	_ =	shalt  }
0x68: {  	_ =	shalt  }
0x69: {  	_ =	shalt  }
0x6a: {  	_ =	shalt  }
0x6b: {  	_ =	shalt  }
0x6c: {  	_ =	shalt  }
0x6d: {  	_ =	shalt  }
0x6e: {  	_ =	shalt  }
0x6f: {  	_ =	shalt  }
0x70: {  	_ =	shalt  }
0x71: {  	_ =	shalt  }
0x72: {  	_ =	shalt  }
0x73: {  	_ =	shalt  }
0x74: {  	_ =	shalt  }
0x75: {  	_ =	shalt  }
0x76: {  	_ =	shalt  }
0x77: {  	_ =	shalt  }
0x78: {  	_ =	shalt  }
0x79: {  	_ =	shalt  }
0x7a: {  	_ =	shalt  }
0x7b: {  	_ =	shalt  }
0x7c: {  	_ =	shalt  }
0x7d: {  	_ =	shalt  }
0x7e: {  	_ =	shalt  }
0x7f: {  	_ =	shalt  }
0x80: {  	_ =	shalt  }
0x81: {  	_ =	shalt  }
0x82: {  	_ =	shalt  }
0x83: {  	_ =	shalt  }
0x84: {  	_ =	shalt  }
0x85: {  	_ =	shalt  }
0x86: {  	_ =	shalt  }
0x87: {  	_ =	shalt  }
.Lfunc_end0:
.L_simem_size_0:
called_computation.1_lowered:
.L_overlay_start_0:
0x88: {  	s2 =	sld [smem:$0x3FD9]  }
0x89: {  	s3 =	sld [smem:$0x3FFE];
	_ =	sdelay $0x1  }
0x8a: {  	s1 =	srdreg.scid  }
0x8b: {  	s0 =	sand.u32 $0x1, s1  }
0x8c: {  	s17 =	sshll.u32 s0, $0xA;
	s2 =	sadd.s32 s3, s2  }
0x8d: {  	s2 =	sadd.s32 s2, s17  }
0x8e: {  	[smem:$0x3FC6] =	sst s2  }
0x8f: {  	_ = 	snop  }
0x90: {  	s2 =	sld [smem:$0x3FC9];
	(tm) =	ssettm $0x1  }
0x91: {  	s18 =	sld [smem:$0x3FFB];
	_ =	sdelay $0x3  }
0x92: {  	_ =	strace s18  }
0x93: {  	s3 =	sld [smem:$0x3FFC];
	_ =	sdelay $0x3  }
0x94: {  	_ =	strace s3  }
0x95: {  	s3 =	sld [smem:$0x3FFD];
	_ =	sdelay $0x3  }
0x96: {  	_ =	strace s3  }
0x97: {  	_ =	strace $0x8FFFFFFF  }
0x98: {  	s19 =	sld [smem:$0x3FDB];
	_ =	sdelay $0x1  }
0x99: {  	s4 =	simm.s32 $_scs_section_size  }
0x9a: {  	s5 =	simm.s32 $_size__tile_overlayer_lowered;
	s6 =	simm.s32 $_tile_overlayer_lowered  }
0x9b: {  	s22 =	simm.s32 $0x1BFF;
	s21 =	sshll.u32 s6, $0x1;
	s3 =	sadd.s32 s4, s19  }
0x9c: {  	s7 =	simm.s32 $0x0;
	s20 =	sshll.u32 s5, $0x1;
	s5 =	sadd.s32 s21, s3  }
0x9d: {  	[timem:s7], [sflag:s22] =	dma.local [hbm:s5], s20  }
0x9e: {  	_ =	swait.ge [sflag:s22], s20  }
0x9f: {  	s4 =	ssub.s32 $0x0, s20;
	[sflag:s22] =	ssyncset.done $0x0  }
0xa0: {  	[sflag:s22] =	ssyncadd.s32 s4;
	_ =	sdelay $0x1  }
0xa1: {  	s23 =	simm.s32 $0x1B8B  }
0xa2: {  	_ =	swait.ge [sflag:s23], $0x1  }
0xa3: {  	[sflag:s23] =	ssyncset.done $0x0  }
0xa4: {  	s25 =	simm.s32 $0x1B8E;
	s24 =	sld [smem:$0x3FFE];
	[sflag:s23] =	ssyncadd.s32 $0xFFFFFFFF  }
0xa5: {  	s26 =	simm.s32 $execute0_lowered;
	[smem:$0x3FD2] =	sst s25  }
0xa6: {  	s5 =	sshll.u32 s26, $0x1;
	_ =	strace $0x80000046;
	[dreg:$0x1] =	wrdreg $0xFFFFFFFF  }
0xa7: {  	s28 =	simm.s32 $_size_execute0_lowered;
	s3 =	sadd.s32 s3, s5;
	[dreg:$0x0] =	wrdreg $0x0  }
0xa8: {  	s5 =	sshll.u32 s28, $0x1;
	[dreg:$0x2] =	wrdreg s3  }
0xa9: {  	[dreg:$0x3] =	wrdreg s5  }
0xaa: {  	[dreg:$0x4] =	wrdreg $0xC0  }
0xab: {  	_ =	task [dreg:s7], $0x5FFFF  }
0xac: {  	[dreg:$0x1] =	wrdreg $0xFFFFFFFF  }
0xad: {  	[dreg:$0x0] =	wrdreg $0x60  }
0xae: {  	[dreg:$0x2] =	wrdreg s2  }
0xaf: {  	[dreg:$0x3] =	wrdreg s24  }
0xb0: {  	[dreg:$0x4] =	wrdreg $0x9  }
0xb1: {  	_ =	task.clear_ibuf [dreg:s7], $0x5FFFF;
	_ =	strace $0x90000046  }
0xb2: {  	s29 =	simm.s32 $0x9;
	_ =	strace $0x80000048  }
0xb3: {  	_ =	swait.ge [sflag:s29], $0x1  }
0xb4: {  	[sflag:s29] =	ssyncadd.s32 $0xFFFFFFFF  }
0xb5: {  	_ =	strace $0x90000048  }
0xb6: {  	_ =	sfence  }
0xb7: {  	s30 =	sld [smem:$0x0];
	_ =	sdelay $0x2  }
0xb8: {  	s31 =	sshll.u32 s1, $0xD;
	s1 =	sshrl.u32 s1, $0x2  }
0xb9: {  	s3 =	sand.u32 $0x4000, s31;
	s1 =	sadd.s32 s1, s30  }
0xba: {  	s0 =	sor.u32 s3, s0;
	s1 =	sshll.u32 s1, $0x11  }
0xbb: {  	s0 =	sor.u32 s1, s0  }
0xbc: {  	s0 =	sadd.s32 $0x8F2B, s0  }
0xbd: {  	[sflag:s0] =	ssyncadd.remote.s32 $0x1  }
0xbe: {  	_ =	sfence.sel $0xFFFF  }
0xbf: {  	[dreg:$0x0] =	wrdreg $0xFFFFFFFF;
	(pc) =	sbr.abs _section_cstart, $3  }
0xc0: {  	[dreg:$0x1] =	wrdreg $0xFFFFFFFF  }
0xc1: {  	_ =	task.clear_ibuf [dreg:s7], $0x2FFFF;
	_ =	strace $0x9FFFFFFF  }
0xc2: {  	(tm) =	ssettm $0x7FFFFFFF  }
0xc3: {  	_ =	shalt  }
tec
execute0_lowered:
.L_overlay_start_1:
0x0: {  	(tag) =	ssettag $0x1  }
0x1: {  	v0 =	vlaneseq.u32  }
0x2: {  	v0 =	vmul.u32 $0x32, v0;
	_ =	sdelay $0x1  }
0x3: {  	v1 =	vadd.s32 $0x320, v0  }
0x4: {  	v2 =	vadd.s32 $0x640, v0;
	v3 =	vadd.s32 $0x960, v0;
	v4 =	vadd.s32 $0xC80, v0  }
0x5: {  	s3 =	rddreg [dreg:$0x0];
	s1 =	srdreg.scid;
	v5 =	vadd.s32 $0xFA0, v0;
	v6 =	vadd.s32 $0x12C0, v0;
	v7 =	vadd.s32 $0x15E0, v0  }
0x6: {  	s0 =	stileid.u32;
	s4 =	rddreg [dreg:$0x1];
	v8 =	vadd.s32 $0x1900, v0;
	v9 =	vadd.s32 $0x1C20, v0;
	v10 =	vadd.s32 $0x1F40, v0  }
0x7: {  	s2 =	simm.s32 $0x0;
	s8 =	simm.s32 $0x1;
	s9 =	simm.s32 $0x7000;
	v11 =	vadd.s32 $0x2260, v0;
	v12 =	vadd.s32 $0x2580, v0;
	v13 =	vadd.s32 $0x28A0, v0  }
0x8: {  	s10 =	simm.s32 $0x0;
	s5 =	sand.u32 $0x1, s1;
	s6 =	sshll.u32 s0, $0x1;
	v14 =	vadd.s32 $0x2BC0, v0;
	v15 =	vadd.s32 $0x2EE0, v0;
	v16 =	vadd.s32 $0x3200, v0  }
0x9: {  	s1 =	rddreg [dreg:$0x2];
	s6 =	sor.u32 s5, s6;
	s5 =	ssub.s32 $0x2, s5;
	v17 =	vadd.s32 $0x3520, v0;
	v18 =	vadd.s32 $0x3840, v0;
	v19 =	vadd.s32 $0x3B60, v0  }
0xa: {  	[smem:$0x7FF] =	sst s2;
	s7 =	smul.u32 $0xC80, s6;
	s31 =	sshrl.u32 s5, $0x1;
	v20 =	vadd.s32 $0x3E80, v0;
	v21 =	vadd.s32 $0x41A0, v0;
	v22 =	vadd.s32 $0x44C0, v0  }
0xb: {  	_ =	strace $0x80000047;
	s6 =	sshll.u32 s6, $0x9;
	v23 =	vadd.s32 $0x47E0, v0;
	v24 =	vadd.s32 $0x4B00, v0;
	v25 =	vadd.s32 $0x4E20, v0;
	s5 =	ssub.s32 s5, s31  }
0xc: {  	v26 =	vadd.s32 $0x5140, v0;
	v27 =	vadd.s32 $0x5460, v0;
	v28 =	vadd.s32 $0x5780, v0;
	s3 =	sadd.s32 s3, s6;
	s6 =	simm.s32 $0x1000;
	s4 =	sadd.s32 s7, s4  }
0xd: {  	v29 =	vadd.s32 $0x5AA0, v0;
	v30 =	vadd.s32 $0x5DC0, v0;
	v31 =	vadd.s32 $0x60E0, v0;
	s5 =	smax.u32 s5, $0x1;
	s7 =	simm.s32 $0x20000;
	s4 =	sadd.s32 $0xC00, s4  }
.LBB2_1:
0xe: {  	[tilespmem:s2], [sflag:$0x1] =	stream.strided.gather [hbm4b:s3+s6], $0x7000, s7, s6, $0x38;
	[tilespmem:$0xD400] =	vst v63  }
0xf: {  	_ =	swait.ge [sflag:s8], $0x7000  }
0x10: {  	s11 =	sand.u32 $0x7000, s2;
	s12 =	sand.u32 $0x380, s2;
	[sflag:s8] =	ssyncset.done $0x0  }
0x11: {  	s14 =	sor.u32 s12, s11;
	[sflag:s8] =	ssyncadd.s32 $0xFFFF9000  }
0x12: {  	v33 =	vadd.s32 s2, v0;
	v32 =	vld [tilespmem:s14+$0x0];
	_ =	sdelay $0x4  }
0x13: {  	[tilespmem:v33+s9+$0x0] =	vst.idx.msk $0xffff, v32  }
0x14: {  	v62 =	vadd.s32 s2, v1;
	v32 =	vld [tilespmem:s14+$0x10];
	_ =	sdelay $0x4  }
0x15: {  	[tilespmem:v62+s9+$0x0] =	vst.idx.msk $0xffff, v32  }
0x16: {  	v63 =	vadd.s32 s2, v2;
	v32 =	vld [tilespmem:s14+$0x20];
	_ =	sdelay $0x4  }
0x17: {  	[tilespmem:v63+s9+$0x0] =	vst.idx.msk $0xffff, v32  }
0x18: {  	v36 =	vadd.s32 s2, v3;
	v32 =	vld [tilespmem:s14+$0x30];
	_ =	sdelay $0x4  }
0x19: {  	[tilespmem:v36+s9+$0x0] =	vst.idx.msk $0xffff, v32  }
0x1a: {  	v37 =	vadd.s32 s2, v4;
	v32 =	vld [tilespmem:s14+$0x40];
	_ =	sdelay $0x4  }
0x1b: {  	[tilespmem:v37+s9+$0x0] =	vst.idx.msk $0xffff, v32  }
0x1c: {  	v38 =	vadd.s32 s2, v5;
	v32 =	vld [tilespmem:s14+$0x50];
	_ =	sdelay $0x4  }
0x1d: {  	[tilespmem:v38+s9+$0x0] =	vst.idx.msk $0xffff, v32  }
0x1e: {  	v39 =	vadd.s32 s2, v6;
	v32 =	vld [tilespmem:s14+$0x60];
	_ =	sdelay $0x4  }
0x1f: {  	[tilespmem:v39+s9+$0x0] =	vst.idx.msk $0xffff, v32  }
0x20: {  	v40 =	vadd.s32 s2, v7;
	v32 =	vld [tilespmem:s14+$0x70];
	_ =	sdelay $0x4  }
0x21: {  	[tilespmem:v40+s9+$0x0] =	vst.idx.msk $0xffff, v32  }
0x22: {  	v41 =	vadd.s32 s2, v8;
	v32 =	vld [tilespmem:s14+$0x400];
	_ =	sdelay $0x4  }
0x23: {  	[tilespmem:v41+s9+$0x0] =	vst.idx.msk $0xffff, v32  }
0x24: {  	v42 =	vadd.s32 s2, v9;
	v32 =	vld [tilespmem:s14+$0x410];
	_ =	sdelay $0x4  }
0x25: {  	[tilespmem:v42+s9+$0x0] =	vst.idx.msk $0xffff, v32  }
0x26: {  	v43 =	vadd.s32 s2, v10;
	v32 =	vld [tilespmem:s14+$0x420];
	_ =	sdelay $0x4  }
0x27: {  	[tilespmem:v43+s9+$0x0] =	vst.idx.msk $0xffff, v32  }
0x28: {  	v44 =	vadd.s32 s2, v11;
	v32 =	vld [tilespmem:s14+$0x430];
	_ =	sdelay $0x4  }
0x29: {  	[tilespmem:v44+s9+$0x0] =	vst.idx.msk $0xffff, v32  }
0x2a: {  	v45 =	vadd.s32 s2, v12;
	v32 =	vld [tilespmem:s14+$0x440];
	_ =	sdelay $0x4  }
0x2b: {  	[tilespmem:v45+s9+$0x0] =	vst.idx.msk $0xffff, v32  }
0x2c: {  	v46 =	vadd.s32 s2, v13;
	v32 =	vld [tilespmem:s14+$0x450];
	_ =	sdelay $0x4  }
0x2d: {  	[tilespmem:v46+s9+$0x0] =	vst.idx.msk $0xffff, v32  }
0x2e: {  	v47 =	vadd.s32 s2, v14;
	v32 =	vld [tilespmem:s14+$0x460];
	_ =	sdelay $0x4  }
0x2f: {  	[tilespmem:v47+s9+$0x0] =	vst.idx.msk $0xffff, v32  }
0x30: {  	v48 =	vadd.s32 s2, v15;
	v32 =	vld [tilespmem:s14+$0x470];
	_ =	sdelay $0x4  }
0x31: {  	[tilespmem:v48+s9+$0x0] =	vst.idx.msk $0xffff, v32  }
0x32: {  	v49 =	vadd.s32 s2, v16;
	v32 =	vld [tilespmem:s14+$0x800];
	_ =	sdelay $0x4  }
0x33: {  	[tilespmem:v49+s9+$0x0] =	vst.idx.msk $0xffff, v32  }
0x34: {  	v50 =	vadd.s32 s2, v17;
	v32 =	vld [tilespmem:s14+$0x810];
	_ =	sdelay $0x4  }
0x35: {  	[tilespmem:v50+s9+$0x0] =	vst.idx.msk $0xffff, v32  }
0x36: {  	v51 =	vadd.s32 s2, v18;
	v32 =	vld [tilespmem:s14+$0x820];
	_ =	sdelay $0x4  }
0x37: {  	[tilespmem:v51+s9+$0x0] =	vst.idx.msk $0xffff, v32  }
0x38: {  	v52 =	vadd.s32 s2, v19;
	v32 =	vld [tilespmem:s14+$0x830];
	_ =	sdelay $0x4  }
0x39: {  	[tilespmem:v52+s9+$0x0] =	vst.idx.msk $0xffff, v32  }
0x3a: {  	v53 =	vadd.s32 s2, v20;
	v32 =	vld [tilespmem:s14+$0x840];
	_ =	sdelay $0x4  }
0x3b: {  	[tilespmem:v53+s9+$0x0] =	vst.idx.msk $0xffff, v32  }
0x3c: {  	v54 =	vadd.s32 s2, v21;
	v32 =	vld [tilespmem:s14+$0x850];
	_ =	sdelay $0x4  }
0x3d: {  	[tilespmem:v54+s9+$0x0] =	vst.idx.msk $0xffff, v32  }
0x3e: {  	v55 =	vadd.s32 s2, v22;
	v32 =	vld [tilespmem:s14+$0x860];
	_ =	sdelay $0x4  }
0x3f: {  	[tilespmem:v55+s9+$0x0] =	vst.idx.msk $0xffff, v32  }
0x40: {  	v56 =	vadd.s32 s2, v23;
	v32 =	vld [tilespmem:s14+$0x870];
	_ =	sdelay $0x4  }
0x41: {  	[tilespmem:v56+s9+$0x0] =	vst.idx.msk $0xffff, v32  }
0x42: {  	v57 =	vadd.s32 s2, v24;
	v32 =	vld [tilespmem:s14+$0xC00];
	_ =	sdelay $0x4  }
0x43: {  	[tilespmem:v57+s9+$0x0] =	vst.idx.msk $0xffff, v32  }
0x44: {  	v58 =	vadd.s32 s2, v25;
	v32 =	vld [tilespmem:s14+$0xC10];
	_ =	sdelay $0x4  }
0x45: {  	[tilespmem:v58+s9+$0x0] =	vst.idx.msk $0xffff, v32  }
0x46: {  	v59 =	vadd.s32 s2, v26;
	v32 =	vld [tilespmem:s14+$0xC20];
	_ =	sdelay $0x4  }
0x47: {  	[tilespmem:v59+s9+$0x0] =	vst.idx.msk $0xffff, v32  }
0x48: {  	v60 =	vadd.s32 s2, v27;
	v32 =	vld [tilespmem:s14+$0xC30];
	_ =	sdelay $0x4  }
0x49: {  	[tilespmem:v60+s9+$0x0] =	vst.idx.msk $0xffff, v32  }
0x4a: {  	v61 =	vadd.s32 s2, v28;
	v32 =	vld [tilespmem:s14+$0xC40];
	_ =	sdelay $0x4  }
0x4b: {  	[tilespmem:v61+s9+$0x0] =	vst.idx.msk $0xffff, v32  }
0x4c: {  	v62 =	vadd.s32 s2, v29;
	v32 =	vld [tilespmem:s14+$0xC50];
	_ =	sdelay $0x4  }
0x4d: {  	[tilespmem:v62+s9+$0x0] =	vst.idx.msk $0xffff, v32  }
0x4e: {  	v63 =	vadd.s32 s2, v30;
	v32 =	vld [tilespmem:s14+$0xC60];
	_ =	sdelay $0x4  }
0x4f: {  	[tilespmem:v63+s9+$0x0] =	vst.idx.msk $0xffff, v32  }
0x50: {  	v33 =	vadd.s32 s2, v31;
	v32 =	vld [tilespmem:s14+$0xC70];
	_ =	sdelay $0x2  }
0x51: {  	s13 =	simm.s32 $0x200;
	s11 =	simm.s32 $0x1;
	s12 =	simm.s32 $0x80  }
0x52: {  	s15 =	sand.u32 $0x7000, s13;
	s16 =	sand.u32 $0x380, s12;
	s14 =	simm.s32 $0x2  }
.LBB2_2:
0x53: {  	p0 =	sne.s32 s14, $0x31;
	s15 =	sor.u32 s16, s15;
	[tilespmem:v33+s9+$0x0] =	vst.idx.msk $0xffff, v32  }
0x54: {  	v33 =	vadd.s32 s11, v0;
	v32 =	vld [tilespmem:s15+$0x0];
	_ =	sdelay $0x4  }
0x55: {  	[tilespmem:v33+s9+$0x0] =	vst.idx.msk $0xffff, v32  }
0x56: {  	v33 =	vadd.s32 s11, v1;
	v32 =	vld [tilespmem:s15+$0x10];
	_ =	sdelay $0x4  }
0x57: {  	[tilespmem:v33+s9+$0x0] =	vst.idx.msk $0xffff, v32  }
0x58: {  	v33 =	vadd.s32 s11, v2;
	v32 =	vld [tilespmem:s15+$0x20];
	_ =	sdelay $0x4  }
0x59: {  	[tilespmem:v33+s9+$0x0] =	vst.idx.msk $0xffff, v32  }
0x5a: {  	v33 =	vadd.s32 s11, v3;
	v32 =	vld [tilespmem:s15+$0x30];
	_ =	sdelay $0x4  }
0x5b: {  	[tilespmem:v33+s9+$0x0] =	vst.idx.msk $0xffff, v32  }
0x5c: {  	v33 =	vadd.s32 s11, v4;
	v32 =	vld [tilespmem:s15+$0x40];
	_ =	sdelay $0x4  }
0x5d: {  	[tilespmem:v33+s9+$0x0] =	vst.idx.msk $0xffff, v32  }
0x5e: {  	v33 =	vadd.s32 s11, v5;
	v32 =	vld [tilespmem:s15+$0x50];
	_ =	sdelay $0x4  }
0x5f: {  	[tilespmem:v33+s9+$0x0] =	vst.idx.msk $0xffff, v32  }
0x60: {  	v33 =	vadd.s32 s11, v6;
	v32 =	vld [tilespmem:s15+$0x60];
	_ =	sdelay $0x4  }
0x61: {  	[tilespmem:v33+s9+$0x0] =	vst.idx.msk $0xffff, v32  }
0x62: {  	v33 =	vadd.s32 s11, v7;
	v32 =	vld [tilespmem:s15+$0x70];
	_ =	sdelay $0x4  }
0x63: {  	[tilespmem:v33+s9+$0x0] =	vst.idx.msk $0xffff, v32  }
0x64: {  	v33 =	vadd.s32 s11, v8;
	v32 =	vld [tilespmem:s15+$0x400];
	_ =	sdelay $0x4  }
0x65: {  	[tilespmem:v33+s9+$0x0] =	vst.idx.msk $0xffff, v32  }
0x66: {  	v33 =	vadd.s32 s11, v9;
	v32 =	vld [tilespmem:s15+$0x410];
	_ =	sdelay $0x4  }
0x67: {  	[tilespmem:v33+s9+$0x0] =	vst.idx.msk $0xffff, v32  }
0x68: {  	v33 =	vadd.s32 s11, v10;
	v32 =	vld [tilespmem:s15+$0x420];
	_ =	sdelay $0x4  }
0x69: {  	[tilespmem:v33+s9+$0x0] =	vst.idx.msk $0xffff, v32  }
0x6a: {  	v33 =	vadd.s32 s11, v11;
	v32 =	vld [tilespmem:s15+$0x430];
	_ =	sdelay $0x4  }
0x6b: {  	[tilespmem:v33+s9+$0x0] =	vst.idx.msk $0xffff, v32  }
0x6c: {  	v33 =	vadd.s32 s11, v12;
	v32 =	vld [tilespmem:s15+$0x440];
	_ =	sdelay $0x4  }
0x6d: {  	[tilespmem:v33+s9+$0x0] =	vst.idx.msk $0xffff, v32  }
0x6e: {  	v33 =	vadd.s32 s11, v13;
	v32 =	vld [tilespmem:s15+$0x450];
	_ =	sdelay $0x4  }
0x6f: {  	[tilespmem:v33+s9+$0x0] =	vst.idx.msk $0xffff, v32  }
0x70: {  	v33 =	vadd.s32 s11, v14;
	v32 =	vld [tilespmem:s15+$0x460];
	_ =	sdelay $0x4  }
0x71: {  	[tilespmem:v33+s9+$0x0] =	vst.idx.msk $0xffff, v32  }
0x72: {  	v33 =	vadd.s32 s11, v15;
	v32 =	vld [tilespmem:s15+$0x470];
	_ =	sdelay $0x4  }
0x73: {  	[tilespmem:v33+s9+$0x0] =	vst.idx.msk $0xffff, v32  }
0x74: {  	v33 =	vadd.s32 s11, v16;
	v32 =	vld [tilespmem:s15+$0x800];
	_ =	sdelay $0x4  }
0x75: {  	[tilespmem:v33+s9+$0x0] =	vst.idx.msk $0xffff, v32  }
0x76: {  	v33 =	vadd.s32 s11, v17;
	v32 =	vld [tilespmem:s15+$0x810];
	_ =	sdelay $0x4  }
0x77: {  	[tilespmem:v33+s9+$0x0] =	vst.idx.msk $0xffff, v32  }
0x78: {  	v33 =	vadd.s32 s11, v18;
	v32 =	vld [tilespmem:s15+$0x820];
	_ =	sdelay $0x4  }
0x79: {  	[tilespmem:v33+s9+$0x0] =	vst.idx.msk $0xffff, v32  }
0x7a: {  	v33 =	vadd.s32 s11, v19;
	v32 =	vld [tilespmem:s15+$0x830];
	_ =	sdelay $0x4  }
0x7b: {  	[tilespmem:v33+s9+$0x0] =	vst.idx.msk $0xffff, v32  }
0x7c: {  	v33 =	vadd.s32 s11, v20;
	v32 =	vld [tilespmem:s15+$0x840];
	_ =	sdelay $0x4  }
0x7d: {  	[tilespmem:v33+s9+$0x0] =	vst.idx.msk $0xffff, v32  }
0x7e: {  	v33 =	vadd.s32 s11, v21;
	v32 =	vld [tilespmem:s15+$0x850];
	_ =	sdelay $0x4  }
0x7f: {  	[tilespmem:v33+s9+$0x0] =	vst.idx.msk $0xffff, v32  }
0x80: {  	v33 =	vadd.s32 s11, v22;
	v32 =	vld [tilespmem:s15+$0x860];
	_ =	sdelay $0x4  }
0x81: {  	[tilespmem:v33+s9+$0x0] =	vst.idx.msk $0xffff, v32  }
0x82: {  	v33 =	vadd.s32 s11, v23;
	v32 =	vld [tilespmem:s15+$0x870];
	_ =	sdelay $0x4  }
0x83: {  	[tilespmem:v33+s9+$0x0] =	vst.idx.msk $0xffff, v32  }
0x84: {  	v33 =	vadd.s32 s11, v24;
	v32 =	vld [tilespmem:s15+$0xC00];
	_ =	sdelay $0x4  }
0x85: {  	[tilespmem:v33+s9+$0x0] =	vst.idx.msk $0xffff, v32  }
0x86: {  	v33 =	vadd.s32 s11, v25;
	v32 =	vld [tilespmem:s15+$0xC10];
	_ =	sdelay $0x4  }
0x87: {  	[tilespmem:v33+s9+$0x0] =	vst.idx.msk $0xffff, v32  }
0x88: {  	v33 =	vadd.s32 s11, v26;
	v32 =	vld [tilespmem:s15+$0xC20];
	_ =	sdelay $0x4  }
0x89: {  	[tilespmem:v33+s9+$0x0] =	vst.idx.msk $0xffff, v32  }
0x8a: {  	v33 =	vadd.s32 s11, v27;
	v32 =	vld [tilespmem:s15+$0xC30];
	_ =	sdelay $0x4  }
0x8b: {  	[tilespmem:v33+s9+$0x0] =	vst.idx.msk $0xffff, v32  }
0x8c: {  	v33 =	vadd.s32 s11, v28;
	v32 =	vld [tilespmem:s15+$0xC40];
	_ =	sdelay $0x4  }
0x8d: {  	[tilespmem:v33+s9+$0x0] =	vst.idx.msk $0xffff, v32  }
0x8e: {  	v33 =	vadd.s32 s11, v29;
	v32 =	vld [tilespmem:s15+$0xC50];
	_ =	sdelay $0x4  }
0x8f: {  	[tilespmem:v33+s9+$0x0] =	vst.idx.msk $0xffff, v32  }
0x90: {  	v33 =	vadd.s32 s11, v30;
	v32 =	vld [tilespmem:s15+$0xC60];
	_ =	sdelay $0x4  }
0x91: {  	[tilespmem:v33+s9+$0x0] =	vst.idx.msk $0xffff, v32  }
.Ltmp0:
0x92: {  	v33 =	vadd.s32 s11, v31;
	s11 =	smov.u32 s14;
	v32 =	vld [tilespmem:s15+$0xC70];
	(pc) =	sbr.rel @p0 .LBB2_2-.Ltmp0, $3  }
0x93: {  	_ =	sdelay $0x1  }
0x94: {  	s12 =	sadd.s32 $0x80, s12;
	s13 =	sadd.s32 $0x200, s13  }
0x95: {  	s16 =	sand.u32 $0x380, s12;
	s14 =	sadd.s32 $0x1, s14;
	s15 =	sand.u32 $0x7000, s13  }
0x96: {  	_ =	sdelay $0x3  }
0x97: {  	s12 =	sor.u32 s16, s15;
	[tilespmem:v33+s9+$0x0] =	vst.idx.msk $0xffff, v32  }
0x98: {  	v60 =	vadd.s32 s11, v0;
	v32 =	vld [tilespmem:s12+$0x0];
	_ =	sdelay $0x4  }
0x99: {  	[tilespmem:v60+s9+$0x0] =	vst.idx.msk $0xffff, v32  }
0x9a: {  	v61 =	vadd.s32 s11, v1;
	v32 =	vld [tilespmem:s12+$0x10];
	_ =	sdelay $0x4  }
0x9b: {  	[tilespmem:v61+s9+$0x0] =	vst.idx.msk $0xffff, v32  }
0x9c: {  	v62 =	vadd.s32 s11, v2;
	v32 =	vld [tilespmem:s12+$0x20];
	_ =	sdelay $0x4  }
0x9d: {  	[tilespmem:v62+s9+$0x0] =	vst.idx.msk $0xffff, v32  }
0x9e: {  	v63 =	vadd.s32 s11, v3;
	v32 =	vld [tilespmem:s12+$0x30];
	_ =	sdelay $0x4  }
0x9f: {  	[tilespmem:v63+s9+$0x0] =	vst.idx.msk $0xffff, v32  }
0xa0: {  	v36 =	vadd.s32 s11, v4;
	v32 =	vld [tilespmem:s12+$0x40];
	_ =	sdelay $0x4  }
0xa1: {  	[tilespmem:v36+s9+$0x0] =	vst.idx.msk $0xffff, v32  }
0xa2: {  	v37 =	vadd.s32 s11, v5;
	v32 =	vld [tilespmem:s12+$0x50];
	_ =	sdelay $0x4  }
0xa3: {  	[tilespmem:v37+s9+$0x0] =	vst.idx.msk $0xffff, v32  }
0xa4: {  	v38 =	vadd.s32 s11, v6;
	v32 =	vld [tilespmem:s12+$0x60];
	_ =	sdelay $0x4  }
0xa5: {  	[tilespmem:v38+s9+$0x0] =	vst.idx.msk $0xffff, v32  }
0xa6: {  	v39 =	vadd.s32 s11, v7;
	v32 =	vld [tilespmem:s12+$0x70];
	_ =	sdelay $0x4  }
0xa7: {  	[tilespmem:v39+s9+$0x0] =	vst.idx.msk $0xffff, v32  }
0xa8: {  	v40 =	vadd.s32 s11, v8;
	v32 =	vld [tilespmem:s12+$0x400];
	_ =	sdelay $0x4  }
0xa9: {  	[tilespmem:v40+s9+$0x0] =	vst.idx.msk $0xffff, v32  }
0xaa: {  	v41 =	vadd.s32 s11, v9;
	v32 =	vld [tilespmem:s12+$0x410];
	_ =	sdelay $0x4  }
0xab: {  	[tilespmem:v41+s9+$0x0] =	vst.idx.msk $0xffff, v32  }
0xac: {  	v42 =	vadd.s32 s11, v10;
	v32 =	vld [tilespmem:s12+$0x420];
	_ =	sdelay $0x4  }
0xad: {  	[tilespmem:v42+s9+$0x0] =	vst.idx.msk $0xffff, v32  }
0xae: {  	v43 =	vadd.s32 s11, v11;
	v32 =	vld [tilespmem:s12+$0x430];
	_ =	sdelay $0x4  }
0xaf: {  	[tilespmem:v43+s9+$0x0] =	vst.idx.msk $0xffff, v32  }
0xb0: {  	v44 =	vadd.s32 s11, v12;
	v32 =	vld [tilespmem:s12+$0x440];
	_ =	sdelay $0x4  }
0xb1: {  	[tilespmem:v44+s9+$0x0] =	vst.idx.msk $0xffff, v32  }
0xb2: {  	v45 =	vadd.s32 s11, v13;
	v32 =	vld [tilespmem:s12+$0x450];
	_ =	sdelay $0x4  }
0xb3: {  	[tilespmem:v45+s9+$0x0] =	vst.idx.msk $0xffff, v32  }
0xb4: {  	v46 =	vadd.s32 s11, v14;
	v32 =	vld [tilespmem:s12+$0x460];
	_ =	sdelay $0x4  }
0xb5: {  	[tilespmem:v46+s9+$0x0] =	vst.idx.msk $0xffff, v32  }
0xb6: {  	v47 =	vadd.s32 s11, v15;
	v32 =	vld [tilespmem:s12+$0x470];
	_ =	sdelay $0x4  }
0xb7: {  	[tilespmem:v47+s9+$0x0] =	vst.idx.msk $0xffff, v32  }
0xb8: {  	v48 =	vadd.s32 s11, v16;
	v32 =	vld [tilespmem:s12+$0x800];
	_ =	sdelay $0x4  }
0xb9: {  	[tilespmem:v48+s9+$0x0] =	vst.idx.msk $0xffff, v32  }
0xba: {  	v49 =	vadd.s32 s11, v17;
	v32 =	vld [tilespmem:s12+$0x810];
	_ =	sdelay $0x4  }
0xbb: {  	[tilespmem:v49+s9+$0x0] =	vst.idx.msk $0xffff, v32  }
0xbc: {  	v50 =	vadd.s32 s11, v18;
	v32 =	vld [tilespmem:s12+$0x820];
	_ =	sdelay $0x4  }
0xbd: {  	[tilespmem:v50+s9+$0x0] =	vst.idx.msk $0xffff, v32  }
0xbe: {  	v51 =	vadd.s32 s11, v19;
	v32 =	vld [tilespmem:s12+$0x830];
	_ =	sdelay $0x4  }
0xbf: {  	[tilespmem:v51+s9+$0x0] =	vst.idx.msk $0xffff, v32  }
0xc0: {  	v52 =	vadd.s32 s11, v20;
	v32 =	vld [tilespmem:s12+$0x840];
	_ =	sdelay $0x4  }
0xc1: {  	[tilespmem:v52+s9+$0x0] =	vst.idx.msk $0xffff, v32  }
0xc2: {  	v53 =	vadd.s32 s11, v21;
	v32 =	vld [tilespmem:s12+$0x850];
	_ =	sdelay $0x4  }
0xc3: {  	[tilespmem:v53+s9+$0x0] =	vst.idx.msk $0xffff, v32  }
0xc4: {  	v54 =	vadd.s32 s11, v22;
	v32 =	vld [tilespmem:s12+$0x860];
	_ =	sdelay $0x4  }
0xc5: {  	[tilespmem:v54+s9+$0x0] =	vst.idx.msk $0xffff, v32  }
0xc6: {  	v55 =	vadd.s32 s11, v23;
	v32 =	vld [tilespmem:s12+$0x870];
	_ =	sdelay $0x4  }
0xc7: {  	[tilespmem:v55+s9+$0x0] =	vst.idx.msk $0xffff, v32  }
0xc8: {  	v56 =	vadd.s32 s11, v24;
	v32 =	vld [tilespmem:s12+$0xC00];
	_ =	sdelay $0x4  }
0xc9: {  	[tilespmem:v56+s9+$0x0] =	vst.idx.msk $0xffff, v32  }
0xca: {  	v57 =	vadd.s32 s11, v25;
	v32 =	vld [tilespmem:s12+$0xC10];
	_ =	sdelay $0x4  }
0xcb: {  	[tilespmem:v57+s9+$0x0] =	vst.idx.msk $0xffff, v32  }
0xcc: {  	v58 =	vadd.s32 s11, v26;
	v32 =	vld [tilespmem:s12+$0xC20];
	_ =	sdelay $0x4  }
0xcd: {  	[tilespmem:v58+s9+$0x0] =	vst.idx.msk $0xffff, v32  }
0xce: {  	v59 =	vadd.s32 s11, v27;
	v32 =	vld [tilespmem:s12+$0xC30];
	_ =	sdelay $0x4  }
0xcf: {  	[tilespmem:v59+s9+$0x0] =	vst.idx.msk $0xffff, v32  }
0xd0: {  	v60 =	vadd.s32 s11, v28;
	v32 =	vld [tilespmem:s12+$0xC40];
	_ =	sdelay $0x4  }
0xd1: {  	[tilespmem:v60+s9+$0x0] =	vst.idx.msk $0xffff, v32  }
0xd2: {  	v61 =	vadd.s32 s11, v29;
	v32 =	vld [tilespmem:s12+$0xC50];
	_ =	sdelay $0x4  }
0xd3: {  	[tilespmem:v61+s9+$0x0] =	vst.idx.msk $0xffff, v32  }
0xd4: {  	v62 =	vadd.s32 s11, v30;
	v32 =	vld [tilespmem:s12+$0xC60];
	_ =	sdelay $0x4  }
0xd5: {  	[tilespmem:v62+s9+$0x0] =	vst.idx.msk $0xffff, v32  }
0xd6: {  	v63 =	vadd.s32 s11, v31;
	v32 =	vld [tilespmem:s12+$0xC70];
	_ =	sdelay $0x2  }
0xd7: {  	s10 =	sadd.s32 $0x1, s10  }
0xd8: {  	p0 =	sne.s32 s10, s5  }
.Ltmp1:
0xd9: {  	[tilespmem:v63+s9+$0x0] =	vst.idx.msk $0xffff, v32;
	(pc) =	sbr.rel @p0 .LBB2_1-.Ltmp1, $4  }
0xda: {  	[hbm4b:s4+s2] =	stream.linear.scatter [tilespmem:s9], [sflag:$0x1], $0x6400, $0x38;
	[tilespmem:$0xD400] =	vst v63  }
0xdb: {  	_ =	swait.ge [sflag:s8], $0x6400  }
0xdc: {  	[sflag:s8] =	ssyncset.done $0x0  }
0xdd: {  	[sflag:s8] =	ssyncadd.s32 $0xFFFF9C00  }
0xde: {  	_ =	sfence.sel $0x180000  }
0xdf: {  	[bflag:$0x0] =	sbarrier.arrive $0xFFFF  }
0xe0: {  	p0 =	sne.s32 s0, $0x0;
	_ =	strace $0x90000047  }
0xe1: {  	s0 =	sadd.s32 @!p0 $0x100000, s1;
	[bflag:$0x2] =	sbarrier.arrive $0xFFFF  }
0xe2: {  	[sflag:s0] =	ssyncadd.tile.s32 @!p0 $0x1;
	_ =	shalt  }
.Lfunc_end2:
_tile_overlayer_lowered:
.L_overlay_start_2:
0xe3: {  	(tag) =	ssettag $0x2  }
0xe4: {  	s0 =	rddreg [dreg:$0x0];
	s2 =	stileid.u32  }
0xe5: {  	s1 =	rddreg [dreg:$0x1];
	p0 =	sne.s32 s2, $0x0  }
0xe6: {  	s3 =	rddreg [dreg:$0x2];
	[bflag:$0x3] =	sbarrier.arrive $0xFFFF;
	s2 =	simm.s32 @!p0 $0x1C01  }
0xe7: {  	[timem:s3], [sflag:s2] =	dma.local @!p0 [hbm:s0], s1  }
0xe8: {  	s0 =	simm.s32 @!p0 $0x1  }
0xe9: {  	_ =	swait.ge @!p0 [sflag:s0], s1  }
0xea: {  	s1 =	ssub.s32 @!p0 $0x0, s1;
	[sflag:s0] =	ssyncset.done @!p0 $0x0  }
0xeb: {  	[sflag:s0] =	ssyncadd.s32 @!p0 s1  }
0xec: {  	[bflag:$0x3] =	sbarrier.arrive $0xFFFF  }
0xed: {  	_ =	shalt  }

// kernel: kernel.7.cloned.1.call-start
scs
__scs_entry_jumppad:
0x0: {  	(pc) =	sbr.rel $0x88, $3  }
0x1: {  	(tag) =	ssettag $0x0;
	lr =	simm.s32 $0x1  }
0x2: {  	[smem:$0x3F9F] =	sst lr;
	_ =	strace $0xD0000000  }
0x3: {  	_ = 	snop  }
0x4: {  	_ = 	snop  }
0x5: {  	_ = 	snop  }
0x6: {  	_ = 	snop  }
0x7: {  	_ = 	snop  }
__scs_overlays_trampoline_lowered:
0x8: {  	[smem:$0x3FAE] =	sst s0  }
0x9: {  	[smem:$0x3FAF] =	sst s1  }
0xa: {  	[smem:$0x3FB0] =	sst s2  }
0xb: {  	[smem:$0x3FB1] =	sst s3  }
0xc: {  	[smem:$0x3FB2] =	sst s4  }
0xd: {  	[smem:$0x3FB3] =	sst s5  }
0xe: {  	[smem:$0x3FB4] =	sst s6  }
0xf: {  	[smem:$0x3FB5] =	sst s7  }
0x10: {  	[smem:$0x3FB6] =	sst s8  }
0x11: {  	[smem:$0x3FB7] =	sst s9;
	s0 =	simm.s32 @!p0 $0x0  }
0x12: {  	s1 =	sld [smem:$0x3F9D];
	s0 =	simm.s32 @p0 $0x1  }
0x13: {  	[smem:$0x3FB8] =	sst s0;
	s0 =	simm.s32 @!p1 $0x0  }
0x14: {  	s2 =	sld [smem:$0x3F9C];
	s0 =	simm.s32 @p1 $0x1  }
0x15: {  	[smem:$0x3FB9] =	sst s0;
	s0 =	simm.s32 @!p2 $0x0  }
0x16: {  	s3 =	sld [smem:$0x3FDB];
	s0 =	simm.s32 @p2 $0x1  }
0x17: {  	s4 =	simm.s32 $0x1BF5;
	[smem:$0x3FBB] =	sst s0  }
0x18: {  	s0 =	sld [smem:$0x3F9E];
	_ =	swait.ge [sflag:s4], $0x0  }
0x19: {  	s7 =	sld [smem:$0x3F9F]  }
0x1a: {  	s8 =	sadd.s32 $0xFFFFE003, lr  }
0x1b: {  	s9 =	sadd.s32 $0xFFFFFEF7, lr;
	s5 =	simm.s32 $0xFFFFFFFF;
	p2 =	slt.u32 s8, $0xFFFFF086  }
0x1c: {  	p1 =	slt.u32 s9, $0xF7A;
	s5 =	simm.s32 @!p2 $0x0  }
0x1d: {  	s5 =	simm.s32 @p1 $0x1;
	p0 =	seq.s32 s7, s2  }
0x1e: {  	s7 =	smul.u32 @!p0 $0xF7A, s2;
	p2 =	seq.s32 @!p0 s5, $0x0  }
0x1f: {  	s9 =	smul.u32 $0xF7A, s1;
	s8 =	simm.s32 @!p0 $0x1BF5;
	p2 =	por !p2, p0  }
0x20: {  	[sflag:s8] =	ssyncset.s32 @!p0 $0xFFFFF086;
	s6 =	sadd.s32 @!p0 s3, s7;
	s7 =	simm.s32 @!p0 $0x108  }
0x21: {  	s3 =	sadd.s32 s3, s9;
	s6 =	sadd.s32 @!p0 $0x88, s6;
	s7 =	simm.s32 @p2 $0x1082  }
0x22: {  	[simem:s7], [sflag:s8] =	dma.local @!p0 [hbm:s6], $0xF7A  }
0x23: {  	s9 =	sor.u32 $0xD0000000, s2;
	s6 =	simm.s32 $0x108;
	_ =	swait.ge @!p0 [sflag:s8], $0x0  }
0x24: {  	s3 =	sadd.s32 $0x88, s3;
	s6 =	simm.s32 @!p1 $0x1082;
	[sflag:s4] =	ssyncset.s32 $0xFFFFF086  }
0x25: {  	[simem:s6], [sflag:s4] =	dma.local [hbm:s3], $0xF7A  }
0x26: {  	[smem:$0x3F9F] =	sst s1;
	(tag) =	ssettag s2;
	_ =	strace s9  }
0x27: {  	s1 =	sld [smem:$0x3FAF]  }
0x28: {  	s2 =	sld [smem:$0x3FB0]  }
0x29: {  	s4 =	sld [smem:$0x3FB2]  }
0x2a: {  	p0 =	seq.s32 s5, $0x0;
	s5 =	sld [smem:$0x3FB3]  }
0x2b: {  	s6 =	sld [smem:$0x3FB4]  }
0x2c: {  	s7 =	sld [smem:$0x3FB5]  }
0x2d: {  	s3 =	simm.s32 $0x108;
	s8 =	sld [smem:$0x3FB6]  }
0x2e: {  	s3 =	simm.s32 @!p0 $0x1082;
	s9 =	sld [smem:$0x3FB7]  }
0x2f: {  	lr =	sadd.s32 s0, s3;
	s0 =	sld [smem:$0x3FAE]  }
0x30: {  	s3 =	sld [smem:$0x3FB1]  }
0x31: {  	[smem:$0x3FBA] =	sst s10  }
0x32: {  	s10 =	sld [smem:$0x3FB8];
	_ =	sdelay $0x3  }
0x33: {  	p0 =	seq.s32 s10, $0x1;
	s10 =	sld [smem:$0x3FBA];
	_ =	sdelay $0x3  }
0x34: {  	[smem:$0x3FBA] =	sst s10  }
0x35: {  	s10 =	sld [smem:$0x3FB9];
	_ =	sdelay $0x3  }
0x36: {  	p1 =	seq.s32 s10, $0x1;
	s10 =	sld [smem:$0x3FBA];
	_ =	sdelay $0x3  }
0x37: {  	[smem:$0x3FBA] =	sst s10  }
0x38: {  	s10 =	sld [smem:$0x3FBB]  }
0x39: {  	_ = 	snop;
	(pc) =	sbr.ind lr, $3  }
0x3a: {  	_ = 	snop  }
0x3b: {  	_ = 	snop  }
0x3c: {  	p2 =	seq.s32 s10, $0x1;
	s10 =	sld [smem:$0x3FBA]  }
0x3d: {  	_ =	shalt  }
0x3e: {  	_ =	shalt  }
0x3f: {  	_ =	shalt  }
0x40: {  	_ =	shalt  }
0x41: {  	_ =	shalt  }
0x42: {  	_ =	shalt  }
0x43: {  	_ =	shalt  }
0x44: {  	_ =	shalt  }
0x45: {  	_ =	shalt  }
0x46: {  	_ =	shalt  }
0x47: {  	_ =	shalt  }
0x48: {  	_ =	shalt  }
0x49: {  	_ =	shalt  }
0x4a: {  	_ =	shalt  }
0x4b: {  	_ =	shalt  }
0x4c: {  	_ =	shalt  }
0x4d: {  	_ =	shalt  }
0x4e: {  	_ =	shalt  }
0x4f: {  	_ =	shalt  }
0x50: {  	_ =	shalt  }
0x51: {  	_ =	shalt  }
0x52: {  	_ =	shalt  }
0x53: {  	_ =	shalt  }
0x54: {  	_ =	shalt  }
0x55: {  	_ =	shalt  }
0x56: {  	_ =	shalt  }
0x57: {  	_ =	shalt  }
0x58: {  	_ =	shalt  }
0x59: {  	_ =	shalt  }
0x5a: {  	_ =	shalt  }
0x5b: {  	_ =	shalt  }
0x5c: {  	_ =	shalt  }
0x5d: {  	_ =	shalt  }
0x5e: {  	_ =	shalt  }
0x5f: {  	_ =	shalt  }
0x60: {  	_ =	shalt  }
0x61: {  	_ =	shalt  }
0x62: {  	_ =	shalt  }
0x63: {  	_ =	shalt  }
0x64: {  	_ =	shalt  }
0x65: {  	_ =	shalt  }
0x66: {  	_ =	shalt  }
0x67: {  	_ =	shalt  }
0x68: {  	_ =	shalt  }
0x69: {  	_ =	shalt  }
0x6a: {  	_ =	shalt  }
0x6b: {  	_ =	shalt  }
0x6c: {  	_ =	shalt  }
0x6d: {  	_ =	shalt  }
0x6e: {  	_ =	shalt  }
0x6f: {  	_ =	shalt  }
0x70: {  	_ =	shalt  }
0x71: {  	_ =	shalt  }
0x72: {  	_ =	shalt  }
0x73: {  	_ =	shalt  }
0x74: {  	_ =	shalt  }
0x75: {  	_ =	shalt  }
0x76: {  	_ =	shalt  }
0x77: {  	_ =	shalt  }
0x78: {  	_ =	shalt  }
0x79: {  	_ =	shalt  }
0x7a: {  	_ =	shalt  }
0x7b: {  	_ =	shalt  }
0x7c: {  	_ =	shalt  }
0x7d: {  	_ =	shalt  }
0x7e: {  	_ =	shalt  }
0x7f: {  	_ =	shalt  }
0x80: {  	_ =	shalt  }
0x81: {  	_ =	shalt  }
0x82: {  	_ =	shalt  }
0x83: {  	_ =	shalt  }
0x84: {  	_ =	shalt  }
0x85: {  	_ =	shalt  }
0x86: {  	_ =	shalt  }
0x87: {  	_ =	shalt  }
.Lfunc_end0:
.L_simem_size_0:
called_computation.2_lowered:
.L_overlay_start_0:
0x88: {  	s2 =	sld [smem:$0x3FD9]  }
0x89: {  	s3 =	sld [smem:$0x3FFE];
	_ =	sdelay $0x1  }
0x8a: {  	s1 =	srdreg.scid  }
0x8b: {  	s0 =	sand.u32 $0x1, s1  }
0x8c: {  	s17 =	sshll.u32 s0, $0xA;
	s2 =	sadd.s32 s3, s2  }
0x8d: {  	s2 =	sadd.s32 s2, s17  }
0x8e: {  	[smem:$0x3FC6] =	sst s2  }
0x8f: {  	_ = 	snop  }
0x90: {  	s2 =	sld [smem:$0x3FD0];
	(tm) =	ssettm $0x1  }
0x91: {  	s18 =	sld [smem:$0x3FFB];
	_ =	sdelay $0x3  }
0x92: {  	_ =	strace s18  }
0x93: {  	s3 =	sld [smem:$0x3FFC];
	_ =	sdelay $0x3  }
0x94: {  	_ =	strace s3  }
0x95: {  	s3 =	sld [smem:$0x3FFD];
	_ =	sdelay $0x3  }
0x96: {  	_ =	strace s3  }
0x97: {  	_ =	strace $0x8FFFFFFF  }
0x98: {  	s19 =	sld [smem:$0x3FDB];
	_ =	sdelay $0x1  }
0x99: {  	s4 =	simm.s32 $_scs_section_size  }
0x9a: {  	s5 =	simm.s32 $_size__tile_overlayer_lowered;
	s6 =	simm.s32 $_tile_overlayer_lowered  }
0x9b: {  	s22 =	simm.s32 $0x1BFF;
	s21 =	sshll.u32 s6, $0x1;
	s3 =	sadd.s32 s4, s19  }
0x9c: {  	s7 =	simm.s32 $0x0;
	s20 =	sshll.u32 s5, $0x1;
	s5 =	sadd.s32 s21, s3  }
0x9d: {  	[timem:s7], [sflag:s22] =	dma.local [hbm:s5], s20  }
0x9e: {  	_ =	swait.ge [sflag:s22], s20  }
0x9f: {  	s4 =	ssub.s32 $0x0, s20;
	[sflag:s22] =	ssyncset.done $0x0  }
0xa0: {  	[sflag:s22] =	ssyncadd.s32 s4;
	_ =	sdelay $0x1  }
0xa1: {  	s23 =	simm.s32 $0x1B8B  }
0xa2: {  	_ =	swait.ge [sflag:s23], $0x1  }
0xa3: {  	[sflag:s23] =	ssyncset.done $0x0  }
0xa4: {  	s25 =	simm.s32 $0x1B8E;
	s24 =	sld [smem:$0x3FFE];
	[sflag:s23] =	ssyncadd.s32 $0xFFFFFFFF  }
0xa5: {  	s26 =	simm.s32 $execute0_lowered;
	[smem:$0x3FD2] =	sst s25  }
0xa6: {  	s5 =	sshll.u32 s26, $0x1;
	_ =	strace $0x80000049;
	[dreg:$0x1] =	wrdreg $0xFFFFFFFF  }
0xa7: {  	s28 =	simm.s32 $_size_execute0_lowered;
	s3 =	sadd.s32 s3, s5;
	[dreg:$0x0] =	wrdreg $0x0  }
0xa8: {  	s5 =	sshll.u32 s28, $0x1;
	[dreg:$0x2] =	wrdreg s3  }
0xa9: {  	[dreg:$0x3] =	wrdreg s5  }
0xaa: {  	[dreg:$0x4] =	wrdreg $0xC0  }
0xab: {  	_ =	task [dreg:s7], $0x5FFFF  }
0xac: {  	[dreg:$0x1] =	wrdreg $0xFFFFFFFF  }
0xad: {  	[dreg:$0x0] =	wrdreg $0x60  }
0xae: {  	[dreg:$0x2] =	wrdreg s24  }
0xaf: {  	[dreg:$0x3] =	wrdreg s2  }
0xb0: {  	[dreg:$0x4] =	wrdreg $0x9  }
0xb1: {  	_ =	task.clear_ibuf [dreg:s7], $0x5FFFF;
	_ =	strace $0x90000049  }
0xb2: {  	s29 =	simm.s32 $0x9;
	_ =	strace $0x8000004B  }
0xb3: {  	_ =	swait.ge [sflag:s29], $0x1  }
0xb4: {  	[sflag:s29] =	ssyncadd.s32 $0xFFFFFFFF  }
0xb5: {  	_ =	strace $0x9000004B  }
0xb6: {  	_ =	sfence  }
0xb7: {  	s30 =	sld [smem:$0x0];
	_ =	sdelay $0x2  }
0xb8: {  	s31 =	sshll.u32 s1, $0xD;
	s1 =	sshrl.u32 s1, $0x2  }
0xb9: {  	s3 =	sand.u32 $0x4000, s31;
	s1 =	sadd.s32 s1, s30  }
0xba: {  	s0 =	sor.u32 s3, s0;
	s1 =	sshll.u32 s1, $0x11  }
0xbb: {  	s0 =	sor.u32 s1, s0  }
0xbc: {  	s0 =	sadd.s32 $0x8F2B, s0  }
0xbd: {  	[sflag:s0] =	ssyncadd.remote.s32 $0x1  }
0xbe: {  	_ =	sfence.sel $0xFFFF  }
0xbf: {  	[dreg:$0x0] =	wrdreg $0xFFFFFFFF;
	(pc) =	sbr.abs _section_cstart, $3  }
0xc0: {  	[dreg:$0x1] =	wrdreg $0xFFFFFFFF  }
0xc1: {  	_ =	task.clear_ibuf [dreg:s7], $0x2FFFF;
	_ =	strace $0x9FFFFFFF  }
0xc2: {  	(tm) =	ssettm $0x7FFFFFFF  }
0xc3: {  	_ =	shalt  }
tec
execute0_lowered:
.L_overlay_start_1:
0x0: {  	(tag) =	ssettag $0x1  }
0x1: {  	s1 =	rddreg [dreg:$0x0];
	s2 =	srdreg.scid  }
0x2: {  	s0 =	stileid.u32;
	s13 =	rddreg [dreg:$0x1]  }
0x3: {  	s16 =	simm.s32 $0x6400;
	s17 =	simm.s32 $0xE400;
	s12 =	smul.u32 $0x320000, s0  }
0x4: {  	s18 =	simm.s32 $0x400;
	s11 =	sand.u32 $0x1, s2;
	s15 =	smul.u32 $0x64000, s0  }
0x5: {  	s19 =	simm.s32 $0x16400;
	s3 =	sshll.u32 s0, $0x1;
	s14 =	smul.u32 $0x190000, s11  }
0x6: {  	s2 =	simm.s32 $0x0;
	s4 =	sor.u32 s11, s3;
	s25 =	smul.u32 $0x32000, s11  }
0x7: {  	s20 =	simm.s32 $0x1;
	[smem:$0x7FF] =	sst s2;
	s5 =	smul.u32 $0x6400, s4  }
0x8: {  	s3 =	sadd.s32 $0xF5C000, s1;
	s6 =	ssub.s32 $0x2, s11;
	s8 =	smul.u32 $0x190000, s4  }
0x9: {  	_ =	strace $0x8000004A;
	s7 =	sshrl.u32 s6, $0x1;
	s22 =	smul.u32 $0x32000, s4  }
0xa: {  	s28 =	sadd.s32 s15, s13;
	s15 =	simm.s32 $0x200;
	s21 =	ssub.s32 s6, s7  }
0xb: {  	s26 =	sadd.s32 s14, s12;
	s11 =	sadd.s32 s25, s28;
	s25 =	simm.s32 $0x6  }
0xc: {  	s5 =	sshrl.u32 s5, $0x3;
	s23 =	sshrl.u32 s8, $0x3;
	s24 =	sadd.s32 s13, s22  }
0xd: {  	s14 =	sadd.s32 $0x10000, s26;
	s29 =	sor.u32 $0x8000, s26;
	s22 =	simm.s32 $0x2  }
0xe: {  	s26 =	simm.s32 $0x0;
	s1 =	sadd.s32 s5, s1;
	s5 =	smax.u32 s21, $0x1  }
0xf: {  	s6 =	sadd.s32 $0x30000, s24;
	s8 =	sadd.s32 $0x2D000, s24;
	s30 =	sshrl.u32 s14, $0x3  }
0x10: {  	s31 =	sshrl.u32 s29, $0x3;
	s14 =	simm.s32 $0x7;
	s21 =	simm.s32 $0x4  }
0x11: {  	s24 =	simm.s32 $0x3;
	s4 =	sadd.s32 $0xC00, s1;
	s1 =	sadd.s32 s13, s23  }
0x12: {  	s12 =	sadd.s32 s30, s13;
	s13 =	sadd.s32 s31, s13;
	s23 =	simm.s32 $0x5  }
0x13: {  	s7 =	sadd.s32 $0x31000, s1;
	s9 =	sadd.s32 $0x2E000, s1;
	s10 =	sadd.s32 $0x2F000, s1  }
.LBB2_1:
0x14: {  	[tilespmem:s2], [sflag:$0x7] =	stream.linear.gather [hbm4b:s4+s2], $0x6400, $0x38;
	[tilespmem:$0x1E400] =	vst v63  }
0x15: {  	_ =	swait.ge [sflag:s14], $0x6400  }
0x16: {  	[sflag:s14] =	ssyncset.done $0x0  }
0x17: {  	[sflag:s14] =	ssyncadd.s32 $0xFFFF9C00  }
0x18: {  	[tilespmem:s16], [sflag:$0x1] =	stream.indirect.gather [hbm4b:s3+s15], $0x40, s2, s15, $0xb8;
	[tilespmem:$0x1E400] =	vst v63  }
0x19: {  	_ = 	snop  }
0x1a: {  	[tilespmem:s17], [sflag:$0x2] =	stream.indirect.gather [hbm4b:s3+s15], $0x40, s15, s15, $0xb8;
	[tilespmem:$0x1E400] =	vst v63  }
0x1b: {  	_ = 	snop  }
0x1c: {  	[tilespmem:s19], [sflag:$0x3] =	stream.indirect.gather [hbm4b:s3+s15], $0x40, s18, s15, $0xb8;
	[tilespmem:$0x1E400] =	vst v63  }
0x1d: {  	_ =	swait.ge [sflag:s20], $0x8000  }
0x1e: {  	[sflag:s20] =	ssyncset.done $0x0  }
0x1f: {  	[sflag:s20] =	ssyncadd.s32 $0xFFFF8000  }
0x20: {  	[hbm4b:s11+s2] =	stream.linear.scatter [tilespmem:s16], [sflag:$0x4], $0x8000, $0x38;
	[tilespmem:$0x1E400] =	vst v63  }
0x21: {  	_ =	swait.ge [sflag:s21], $0x8000  }
0x22: {  	[sflag:s21] =	ssyncset.done $0x0  }
0x23: {  	s1 =	simm.s32 $0x600;
	[sflag:s21] =	ssyncadd.s32 $0xFFFF8000  }
0x24: {  	[tilespmem:s16], [sflag:$0x1] =	stream.indirect.gather [hbm4b:s3+s15], $0x40, s1, s15, $0xb8;
	[tilespmem:$0x1E400] =	vst v63  }
0x25: {  	_ =	swait.ge [sflag:s22], $0x8000  }
0x26: {  	[sflag:s22] =	ssyncset.done $0x0  }
0x27: {  	[sflag:s22] =	ssyncadd.s32 $0xFFFF8000  }
0x28: {  	[hbm4b:s13+s2] =	stream.linear.scatter [tilespmem:s17], [sflag:$0x5], $0x8000, $0x38;
	[tilespmem:$0x1E400] =	vst v63  }
0x29: {  	_ =	swait.ge [sflag:s23], $0x8000  }
0x2a: {  	[sflag:s23] =	ssyncset.done $0x0  }
0x2b: {  	s0 =	simm.s32 $0x800;
	[sflag:s23] =	ssyncadd.s32 $0xFFFF8000  }
0x2c: {  	[tilespmem:s17], [sflag:$0x2] =	stream.indirect.gather [hbm4b:s3+s15], $0x40, s0, s15, $0xb8;
	[tilespmem:$0x1E400] =	vst v63  }
0x2d: {  	_ =	swait.ge [sflag:s24], $0x8000  }
0x2e: {  	[sflag:s24] =	ssyncset.done $0x0  }
0x2f: {  	[sflag:s24] =	ssyncadd.s32 $0xFFFF8000  }
0x30: {  	[hbm4b:s12+s2] =	stream.linear.scatter [tilespmem:s19], [sflag:$0x6], $0x8000, $0x38;
	[tilespmem:$0x1E400] =	vst v63  }
0x31: {  	s28 =	simm.s32 $0x1800;
	_ =	swait.ge [sflag:s25], $0x8000  }
0x32: {  	s29 =	sadd.s32 $0x3000, s12;
	s30 =	sadd.s32 $0x3000, s13;
	[sflag:s25] =	ssyncset.done $0x0  }
0x33: {  	s31 =	sadd.s32 $0x3000, s11;
	s1 =	simm.s32 $0xA00;
	[sflag:s25] =	ssyncadd.s32 $0xFFFF8000  }
.LBB2_2:
0x34: {  	[tilespmem:s19], [sflag:$0x3] =	stream.indirect.gather [hbm4b:s3+s15], $0x40, s1, s15, $0xb8;
	[tilespmem:$0x1E400] =	vst v63  }
0x35: {  	s1 =	smov.u32 s28;
	s28 =	sadd.s32 $0x1800, s28;
	_ =	swait.ge [sflag:s20], $0x8000  }
0x36: {  	p0 =	sne.s32 s28, $0x16800;
	[sflag:s20] =	ssyncset.done $0x0  }
0x37: {  	[sflag:s20] =	ssyncadd.s32 $0xFFFF8000  }
0x38: {  	[hbm4b:s31+s2] =	stream.linear.scatter [tilespmem:s16], [sflag:$0x4], $0x8000, $0x38;
	[tilespmem:$0x1E400] =	vst v63  }
0x39: {  	_ =	swait.ge [sflag:s21], $0x8000  }
0x3a: {  	s1 =	sshra.s32 s1, $0x2;
	[sflag:s21] =	ssyncset.done $0x0  }
0x3b: {  	s0 =	sadd.s32 $0x600, s1;
	[sflag:s21] =	ssyncadd.s32 $0xFFFF8000  }
0x3c: {  	[tilespmem:s16], [sflag:$0x1] =	stream.indirect.gather [hbm4b:s3+s15], $0x40, s0, s15, $0xb8;
	[tilespmem:$0x1E400] =	vst v63  }
0x3d: {  	_ =	swait.ge [sflag:s22], $0x8000  }
0x3e: {  	[sflag:s22] =	ssyncset.done $0x0  }
0x3f: {  	[sflag:s22] =	ssyncadd.s32 $0xFFFF8000  }
0x40: {  	[hbm4b:s30+s2] =	stream.linear.scatter [tilespmem:s17], [sflag:$0x5], $0x8000, $0x38;
	[tilespmem:$0x1E400] =	vst v63  }
0x41: {  	_ =	swait.ge [sflag:s23], $0x8000  }
0x42: {  	[sflag:s23] =	ssyncset.done $0x0  }
0x43: {  	s0 =	sadd.s32 $0x800, s1;
	[sflag:s23] =	ssyncadd.s32 $0xFFFF8000  }
0x44: {  	[tilespmem:s17], [sflag:$0x2] =	stream.indirect.gather [hbm4b:s3+s15], $0x40, s0, s15, $0xb8;
	[tilespmem:$0x1E400] =	vst v63  }
0x45: {  	_ =	swait.ge [sflag:s24], $0x8000  }
0x46: {  	[sflag:s24] =	ssyncset.done $0x0  }
.Ltmp0:
0x47: {  	[sflag:s24] =	ssyncadd.s32 $0xFFFF8000;
	(pc) =	sbr.rel @p0 .LBB2_2-.Ltmp0, $4  }
0x48: {  	[hbm4b:s29+s2] =	stream.linear.scatter [tilespmem:s19], [sflag:$0x6], $0x8000, $0x38;
	[tilespmem:$0x1E400] =	vst v63  }
0x49: {  	_ =	swait.ge [sflag:s25], $0x8000  }
0x4a: {  	s30 =	sadd.s32 $0x3000, s30;
	s29 =	sadd.s32 $0x3000, s29;
	[sflag:s25] =	ssyncset.done $0x0  }
0x4b: {  	s31 =	sadd.s32 $0x3000, s31;
	s1 =	sadd.s32 $0xA00, s1;
	[sflag:s25] =	ssyncadd.s32 $0xFFFF8000  }
0x4c: {  	[tilespmem:s19], [sflag:$0x3] =	stream.indirect.gather [hbm4b:s3+s15], $0x40, s1, s15, $0xb8;
	[tilespmem:$0x1E400] =	vst v63  }
0x4d: {  	_ =	swait.ge [sflag:s20], $0x8000  }
0x4e: {  	[sflag:s20] =	ssyncset.done $0x0  }
0x4f: {  	[sflag:s20] =	ssyncadd.s32 $0xFFFF8000  }
0x50: {  	[hbm4b:s8+s2] =	stream.linear.scatter [tilespmem:s16], [sflag:$0x4], $0x8000, $0x38;
	[tilespmem:$0x1E400] =	vst v63  }
0x51: {  	_ =	swait.ge [sflag:s21], $0x8000  }
0x52: {  	s0 =	sshra.s32 s28, $0x2;
	[sflag:s21] =	ssyncset.done $0x0  }
0x53: {  	s31 =	sadd.s32 $0x600, s0;
	[sflag:s21] =	ssyncadd.s32 $0xFFFF8000  }
0x54: {  	[tilespmem:s16], [sflag:$0x1] =	stream.indirect.gather [hbm4b:s3+s15], $0x40, s31, s15, $0xb8;
	[tilespmem:$0x1E400] =	vst v63  }
0x55: {  	_ =	swait.ge [sflag:s22], $0x8000  }
0x56: {  	[sflag:s22] =	ssyncset.done $0x0  }
0x57: {  	[sflag:s22] =	ssyncadd.s32 $0xFFFF8000  }
0x58: {  	[hbm4b:s9+s2] =	stream.linear.scatter [tilespmem:s17], [sflag:$0x5], $0x8000, $0x38;
	[tilespmem:$0x1E400] =	vst v63  }
0x59: {  	_ =	swait.ge [sflag:s23], $0x8000  }
0x5a: {  	[sflag:s23] =	ssyncset.done $0x0  }
0x5b: {  	s0 =	sadd.s32 $0x800, s0;
	[sflag:s23] =	ssyncadd.s32 $0xFFFF8000  }
0x5c: {  	[tilespmem:s17], [sflag:$0x2] =	stream.indirect.gather [hbm4b:s3+s15], $0x40, s0, s15, $0xb8;
	[tilespmem:$0x1E400] =	vst v63  }
0x5d: {  	_ =	swait.ge [sflag:s24], $0x8000  }
0x5e: {  	[sflag:s24] =	ssyncset.done $0x0  }
0x5f: {  	[sflag:s24] =	ssyncadd.s32 $0xFFFF8000  }
0x60: {  	[hbm4b:s10+s2] =	stream.linear.scatter [tilespmem:s19], [sflag:$0x6], $0x8000, $0x38;
	[tilespmem:$0x1E400] =	vst v63  }
0x61: {  	_ =	swait.ge [sflag:s20], $0x8000  }
0x62: {  	[sflag:s20] =	ssyncset.done $0x0  }
0x63: {  	[sflag:s20] =	ssyncadd.s32 $0xFFFF8000  }
0x64: {  	[hbm4b:s6+s2] =	stream.linear.scatter [tilespmem:s16], [sflag:$0x4], $0x8000, $0x38;
	[tilespmem:$0x1E400] =	vst v63  }
0x65: {  	_ =	swait.ge [sflag:s22], $0x8000  }
0x66: {  	[sflag:s22] =	ssyncset.done $0x0  }
0x67: {  	[sflag:s22] =	ssyncadd.s32 $0xFFFF8000  }
0x68: {  	[hbm4b:s7+s2] =	stream.linear.scatter [tilespmem:s17], [sflag:$0x5], $0x8000, $0x38;
	[tilespmem:$0x1E400] =	vst v63  }
0x69: {  	_ =	swait.ge [sflag:s21], $0x8000  }
0x6a: {  	[sflag:s21] =	ssyncset.done $0x0  }
0x6b: {  	s26 =	sadd.s32 $0x1, s26;
	[sflag:s21] =	ssyncadd.s32 $0xFFFF8000  }
0x6c: {  	p0 =	sne.s32 s26, s5;
	_ =	swait.ge [sflag:s23], $0x8000  }
.Ltmp1:
0x6d: {  	[sflag:s23] =	ssyncset.done $0x0;
	(pc) =	sbr.rel @p0 .LBB2_1-.Ltmp1, $4  }
0x6e: {  	[sflag:s23] =	ssyncadd.s32 $0xFFFF8000  }
0x6f: {  	_ =	swait.ge [sflag:s25], $0x8000  }
0x70: {  	[sflag:s25] =	ssyncset.done $0x0  }
0x71: {  	[sflag:s25] =	ssyncadd.s32 $0xFFFF8000  }
0x72: {  	_ =	sfence.sel $0x180000  }
0x73: {  	[bflag:$0x0] =	sbarrier.arrive $0xFFFF  }
0x74: {  	_ =	strace $0x9000004A  }
0x75: {  	s0 =	stileid.u32;
	[bflag:$0x2] =	sbarrier.arrive $0xFFFF  }
0x76: {  	p0 =	sne.s32 s0, $0x0;
	s0 =	rddreg [dreg:$0x2]  }
0x77: {  	s0 =	sadd.s32 @!p0 $0x100000, s0  }
0x78: {  	[sflag:s0] =	ssyncadd.tile.s32 @!p0 $0x1;
	_ =	shalt  }
.Lfunc_end2:
_tile_overlayer_lowered:
.L_overlay_start_2:
0x79: {  	(tag) =	ssettag $0x2  }
0x7a: {  	s0 =	rddreg [dreg:$0x0];
	s2 =	stileid.u32  }
0x7b: {  	s1 =	rddreg [dreg:$0x1];
	p0 =	sne.s32 s2, $0x0  }
0x7c: {  	s3 =	rddreg [dreg:$0x2];
	[bflag:$0x3] =	sbarrier.arrive $0xFFFF;
	s2 =	simm.s32 @!p0 $0x1C07  }
0x7d: {  	[timem:s3], [sflag:s2] =	dma.local @!p0 [hbm:s0], s1  }
0x7e: {  	s0 =	simm.s32 @!p0 $0x7  }
0x7f: {  	_ =	swait.ge @!p0 [sflag:s0], s1  }
0x80: {  	s1 =	ssub.s32 @!p0 $0x0, s1;
	[sflag:s0] =	ssyncset.done @!p0 $0x0  }
0x81: {  	[sflag:s0] =	ssyncadd.s32 @!p0 s1  }
0x82: {  	[bflag:$0x3] =	sbarrier.arrive $0xFFFF  }
0x83: {  	_ =	shalt  }

// kernel: sparse-core-data-format-call.cloned.1.call-start
scs
called_computation_lowered:
.L_overlay_start_0:
0x0: {  	s2 =	sld [smem:$0x3FD9]  }
0x1: {  	s3 =	sld [smem:$0x3FFE];
	_ =	sdelay $0x1  }
0x2: {  	s1 =	srdreg.scid  }
0x3: {  	s0 =	sand.u32 $0x1, s1  }
0x4: {  	s18 =	sshll.u32 s0, $0xA;
	s2 =	sadd.s32 s3, s2  }
0x5: {  	s2 =	sadd.s32 s2, s18  }
0x6: {  	[smem:$0x3FC6] =	sst s2  }
0x7: {  	_ = 	snop  }
0x8: {  	s2 =	sld [smem:$0x3FD0];
	(tm) =	ssettm $0x1  }
0x9: {  	s19 =	sld [smem:$0x3FFB];
	_ =	sdelay $0x3  }
0xa: {  	_ =	strace s19  }
0xb: {  	s3 =	sld [smem:$0x3FFC];
	_ =	sdelay $0x3  }
0xc: {  	_ =	strace s3  }
0xd: {  	s3 =	sld [smem:$0x3FFD];
	_ =	sdelay $0x3  }
0xe: {  	_ =	strace s3  }
0xf: {  	_ =	strace $0x8FFFFFFF  }
0x10: {  	s20 =	sld [smem:$0x3FDB];
	_ =	sdelay $0x1  }
0x11: {  	s4 =	simm.s32 $_scs_section_size  }
0x12: {  	s5 =	simm.s32 $_size__tile_overlayer_lowered;
	s6 =	simm.s32 $_tile_overlayer_lowered  }
0x13: {  	s23 =	simm.s32 $0x1BFF;
	s22 =	sshll.u32 s6, $0x1;
	s3 =	sadd.s32 s4, s20  }
0x14: {  	s7 =	simm.s32 $0x0;
	s21 =	sshll.u32 s5, $0x1;
	s5 =	sadd.s32 s22, s3  }
0x15: {  	[timem:s7], [sflag:s23] =	dma.local [hbm:s5], s21  }
0x16: {  	_ =	swait.ge [sflag:s23], s21  }
0x17: {  	s4 =	ssub.s32 $0x0, s21;
	[sflag:s23] =	ssyncset.done $0x0  }
0x18: {  	[sflag:s23] =	ssyncadd.s32 s4;
	_ =	sdelay $0x1  }
0x19: {  	s24 =	simm.s32 $0x1B8B  }
0x1a: {  	_ =	swait.ge [sflag:s24], $0x1  }
0x1b: {  	[sflag:s24] =	ssyncset.done $0x0  }
0x1c: {  	s26 =	simm.s32 $0x1B8E;
	s25 =	sld [smem:$0x3FFE];
	[sflag:s24] =	ssyncadd.s32 $0xFFFFFFFF  }
0x1d: {  	s27 =	simm.s32 $execute0_lowered;
	[smem:$0x3FD2] =	sst s26  }
0x1e: {  	s5 =	sshll.u32 s27, $0x1;
	_ =	strace $0x8000004C;
	[dreg:$0x1] =	wrdreg $0xFFFFFFFF  }
0x1f: {  	s28 =	simm.s32 $_size_execute0_lowered;
	s3 =	sadd.s32 s3, s5;
	[dreg:$0x0] =	wrdreg $0x0  }
0x20: {  	s5 =	sshll.u32 s28, $0x1;
	[dreg:$0x2] =	wrdreg s3  }
0x21: {  	[dreg:$0x3] =	wrdreg s5  }
0x22: {  	[dreg:$0x4] =	wrdreg $0xC0  }
0x23: {  	_ =	task [dreg:s7], $0x5FFFF  }
0x24: {  	[dreg:$0x1] =	wrdreg $0xFFFFFFFF  }
0x25: {  	[dreg:$0x0] =	wrdreg $0x60  }
0x26: {  	[dreg:$0x2] =	wrdreg s25  }
0x27: {  	[dreg:$0x3] =	wrdreg s2  }
0x28: {  	[dreg:$0x4] =	wrdreg $0x9  }
0x29: {  	_ =	task.clear_ibuf [dreg:s7], $0x5FFFF;
	_ =	strace $0x9000004C  }
0x2a: {  	s29 =	simm.s32 $0x9;
	_ =	strace $0x8000004E  }
0x2b: {  	_ =	swait.ge [sflag:s29], $0x1  }
0x2c: {  	[sflag:s29] =	ssyncadd.s32 $0xFFFFFFFF  }
0x2d: {  	_ =	strace $0x9000004E  }
0x2e: {  	_ =	sfence  }
0x2f: {  	s30 =	sld [smem:$0x0];
	_ =	sdelay $0x2  }
0x30: {  	s31 =	sshll.u32 s1, $0xD;
	s1 =	sshrl.u32 s1, $0x2  }
0x31: {  	s3 =	sand.u32 $0x4000, s31;
	s1 =	sadd.s32 s1, s30  }
0x32: {  	s0 =	sor.u32 s3, s0;
	s1 =	sshll.u32 s1, $0x11  }
0x33: {  	s0 =	sor.u32 s1, s0  }
0x34: {  	s0 =	sadd.s32 $0x8F2B, s0  }
0x35: {  	[sflag:s0] =	ssyncadd.remote.s32 $0x1  }
0x36: {  	_ =	sfence.sel $0xFFFF  }
0x37: {  	[dreg:$0x0] =	wrdreg $0xFFFFFFFF;
	(pc) =	sbr.abs _section_cstart, $3  }
0x38: {  	[dreg:$0x1] =	wrdreg $0xFFFFFFFF  }
0x39: {  	_ =	task.clear_ibuf [dreg:s7], $0x2FFFF;
	_ =	strace $0x9FFFFFFF  }
0x3a: {  	(tm) =	ssettm $0x7FFFFFFF  }
0x3b: {  	_ =	shalt  }
tec
execute0_lowered:
.L_overlay_start_1:
0x0: {  	(tag) =	ssettag $0x1  }
0x1: {  	s0 =	srdreg.scid  }
0x2: {  	s1 =	sshll.u32 s0, $0x4  }
0x3: {  	s0 =	stileid.u32;
	s1 =	sand.u32 $0x10, s1  }
0x4: {  	s1 =	sor.u32 s0, s1  }
0x5: {  	s6 =	rddreg [dreg:$0x0];
	s4 =	simm.s32 $0x1;
	s2 =	sshll.u32 s1, $0x7  }
0x6: {  	s7 =	simm.s32 $0x2;
	s12 =	simm.s32 $0x0;
	s1 =	ssub.s32 $0x4000, s2  }
0x7: {  	s8 =	simm.s32 $0x20000;
	s13 =	simm.s32 $0x0;
	s3 =	sand.u32 $0xF80, s1  }
0x8: {  	s9 =	simm.s32 $0x0;
	s5 =	sshrl.u32 s1, $0xC;
	p0 =	sne.s32 s3, $0x0  }
.Ltmp0:
0x9: {  	s1 =	rddreg [dreg:$0x2];
	s4 =	simm.s32 @!p0 $0x0;
	(pc) =	sbr.rel .LBB1_1-.Ltmp0, $4  }
0xa: {  	s11 =	simm.s32 $0x0;
	s3 =	rddreg [dreg:$0x1];
	s5 =	sadd.s32 s4, s5  }
0xb: {  	_ =	strace $0x8000004D;
	s4 =	simm.s32 $0x1;
	s5 =	smul.u32 $0x32, s5  }
0xc: {  	s6 =	sadd.s32 $0xC00, s6;
	s10 =	smov.u32 s2;
	[sflag:s4] =	ssyncpa.u1 $0x0  }
0xd: {  	p0 =	por $0x0, $0x0;
	[sflag:s7] =	ssyncpa.u1 $0x0;
	s7 =	sor.u32 $0x1, s5  }
.LBB1_4:
0xe: {  	s16 =	sshll.u32 s13, $0x3;
	s17 =	sand.u32 $0x78, s13  }
0xf: {  	s30 =	sand.u32 $0x1F800, s13;
	s12 =	sshll.u32 s12, $0x11;
	s16 =	sand.u32 $0x3C00, s16  }
0x10: {  	[tilespmem:s15+$0x810 ss:$0x81] =	vst.msk $0xffff, v2;
	s31 =	sand.u32 $0x7, s13;
	s16 =	sor.u32 s17, s16;
	s17 =	sadd.s32 s3, s30  }
0x11: {  	[tilespmem:s15+$0x1020 ss:$0x81] =	vst.msk $0xffff, v0;
	s13 =	sshll.u32 s31, $0x12;
	s12 =	sadd.s32 s12, s17;
	s16 =	sshrl.u32 s16, $0x3  }
0x12: {  	[tilespmem:s15+$0x0 ss:$0x81] =	vst.msk $0xffff, v1;
	s13 =	sor.u32 $0x400, s13;
	s12 =	sadd.s32 s16, s12  }
0x13: {  	[hbm4b:s12+s13] =	stream.strided.scatter [tilespmem:s14], [sflag:$0x2], $0x2000, s8, s13, $0x20;
	[tilespmem:$0x8080] =	vst v63  }
.LBB1_5:
0x14: {  	s14 =	sadd.s32 $0x1, s9  }
0x15: {  	s12 =	sadd.s32 $0x1000, s10;
	s16 =	smov.u32 s10;
	p2 =	sgt.s32 s14, $0x31  }
0x16: {  	s16 =	smov.u32 @p2 s12  }
0x17: {  	s14 =	simm.s32 @p2 $0x0;
	p2 =	sgt.s32 s16, $0x3FFF  }
0x18: {  	s16 =	smov.u32 @p2 s2;
	p2 =	sne.s32 s11, s7  }
.Ltmp1:
0x19: {  	p1 =	slt.u32 s11, $0x2;
	(pc) =	sbr.rel @!p2 .LBB1_6-.Ltmp1, $4  }
0x1a: {  	s15 =	simm.s32 @!p1 $0x2  }
0x1b: {  	s13 =	smov.u32 s10;
	p0 =	por !p0, !p0;
	_ =	swait.ge @!p1 [sflag:s15], $0x2000  }
0x1c: {  	s12 =	smov.u32 s9;
	[sflag:s15] =	ssyncset.done @!p1 $0x0;
	s9 =	smov.u32 s14  }
0x1d: {  	s11 =	sadd.s32 $0x1, s11;
	[sflag:s15] =	ssyncadd.s32 @!p1 $0xFFFFE000;
	s10 =	smov.u32 s16  }
.LBB1_1:
0x1e: {  	p1 =	sge.u32 s11, s5  }
0x1f: {  	s14 =	sand.u32 @!p1 $0x1FFFFFF, s9  }
0x20: {  	s15 =	smulhi.u32 @!p1 $0x4924925, s14;
	_ =	sdelay $0x1  }
0x21: {  	s15 =	smul.u32 @!p1 $0x38, s15  }
0x22: {  	s16 =	sxor.u32 @!p1 $0xFFFFFFFF, s11;
	s17 =	smul.u32 @!p1 $0x380, s10  }
0x23: {  	s31 =	sadd.s32 $0xFFFFFFFF, s11;
	s16 =	sshll.u32 @!p1 s16, $0xD;
	s14 =	ssub.s32 @!p1 s14, s15  }
0x24: {  	s15 =	sand.u32 @!p1 $0x2000, s16;
	s16 =	sadd.s32 @!p1 s6, s17;
	s14 =	sshll.u32 @!p1 s14, $0x4  }
0x25: {  	s17 =	simm.s32 @!p1 $0x1C00;
	s14 =	sadd.s32 @!p1 s14, s16;
	s16 =	simm.s32 @!p1 $0x40  }
0x26: {  	[tilespmem:s15], [sflag:$0x1] =	stream.strided.gather @!p1 [hbm4b:s14+s16], $0x2000, s17, s16, $0x38;
	[tilespmem:$0x8080] =	vst v63  }
0x27: {  	p1 =	sge.u32 s31, s5  }
.Ltmp2:
0x28: {  	_ = 	snop;
	(pc) =	sbr.rel @p1 .LBB1_5-.Ltmp2, $1  }
0x29: {  	_ =	sdelay $0x3  }
0x2a: {  	s14 =	simm.s32 $0x1  }
0x2b: {  	_ =	swait.ge [sflag:s4], $0x2000;
	s14 =	simm.s32 @!p0 $0x0  }
0x2c: {  	[sflag:s4] =	ssyncset.done $0x0;
	s15 =	sshll.u32 s14, $0xD  }
0x2d: {  	[sflag:s4] =	ssyncadd.s32 $0xFFFFE000;
	s18 =	sor.u32 $0x20, s15  }
0x2e: {  	s14 =	smul.u32 $0x8100, s14;
	v3 =	vld [tilespmem:s18+$0x10]  }
0x2f: {  	s30 =	sand.u32 $0x1, s11;
	v2 =	vld [tilespmem:s18+$0xFFFFFFF0]  }
0x30: {  	s15 =	smul.u32 $0x8100, s30;
	s14 =	sshrl.u32 s14, $0x2;
	v0 =	vld [tilespmem:s18+$0x0]  }
0x31: {  	v1 =	vld [tilespmem:s18+$0xFFFFFFE0];
	s16 =	sor.u32 $0x4000, s14  }
0x32: {  	s31 =	sshrl.u32 s15, $0x2;
	s15 =	sadd.s32 $0x0, s16  }
0x33: {  	s17 =	simm.s32 $0x4;
	s18 =	sadd.s32 $0x40, s18;
	s14 =	sor.u32 $0x4000, s31;
	[tilespmem:s15+$0x1830 ss:$0x81] =	vst.msk $0xffff, v3  }
.LBB1_3:
0x34: {  	v3 =	vld [tilespmem:s18+$0x10];
	p1 =	sne.s32 s17, $0x1FC;
	[tilespmem:s15+$0x810 ss:$0x81] =	vst.msk $0xffff, v2;
	s19 =	smov.u32 s17;
	s17 =	sadd.s32 $0x4, s17  }
.Ltmp3:
0x35: {  	v2 =	vld [tilespmem:s18+$0xFFFFFFF0];
	[tilespmem:s15+$0x1020 ss:$0x81] =	vst.msk $0xffff, v0;
	(pc) =	sbr.rel @p1 .LBB1_3-.Ltmp3, $4  }
0x36: {  	v0 =	vld [tilespmem:s18+$0x0];
	[tilespmem:s15+$0x0 ss:$0x81] =	vst.msk $0xffff, v1  }
0x37: {  	s15 =	sshra.s32 s19, $0x2;
	v1 =	vld [tilespmem:s18+$0xFFFFFFE0]  }
0x38: {  	s15 =	sadd.s32 s15, s16  }
0x39: {  	s18 =	sadd.s32 $0x40, s18;
	[tilespmem:s15+$0x1830 ss:$0x81] =	vst.msk $0xffff, v3  }
.Ltmp4:
0x3a: {  	_ = 	snop;
	(pc) =	sbr.rel .LBB1_4-.Ltmp4, $1  }
0x3b: {  	_ =	sdelay $0x3  }
.LBB1_6:
0x3c: {  	_ =	sfence.sel $0x180000  }
0x3d: {  	s2 =	simm.s32 $0x1;
	[bflag:$0x0] =	sbarrier.arrive $0xFFFF  }
0x3e: {  	s31 =	simm.s32 $0x2;
	[sflag:s2] =	ssyncpa.u1 $0x1  }
0x3f: {  	[sflag:s31] =	ssyncpa.u1 $0x1  }
0x40: {  	p0 =	sne.s32 s0, $0x0;
	_ =	strace $0x9000004D  }
0x41: {  	s0 =	sadd.s32 @!p0 $0x100000, s1;
	[bflag:$0x2] =	sbarrier.arrive $0xFFFF  }
0x42: {  	[sflag:s0] =	ssyncadd.tile.s32 @!p0 $0x1;
	_ =	shalt  }
.Lfunc_end1:
_tile_overlayer_lowered:
.L_overlay_start_2:
0x43: {  	(tag) =	ssettag $0x2  }
0x44: {  	s0 =	rddreg [dreg:$0x0];
	s2 =	stileid.u32  }
0x45: {  	s1 =	rddreg [dreg:$0x1];
	p0 =	sne.s32 s2, $0x0  }
0x46: {  	s3 =	rddreg [dreg:$0x2];
	[bflag:$0x3] =	sbarrier.arrive $0xFFFF;
	s2 =	simm.s32 @!p0 $0x1C01  }
0x47: {  	[timem:s3], [sflag:s2] =	dma.local @!p0 [hbm:s0], s1  }
0x48: {  	s0 =	simm.s32 @!p0 $0x1  }
0x49: {  	_ =	swait.ge @!p0 [sflag:s0], s1  }
0x4a: {  	s1 =	ssub.s32 @!p0 $0x0, s1;
	[sflag:s0] =	ssyncset.done @!p0 $0x0  }
0x4b: {  	[sflag:s0] =	ssyncadd.s32 @!p0 s1  }
0x4c: {  	[bflag:$0x3] =	sbarrier.arrive $0xFFFF  }
0x4d: {  	_ =	shalt  }

</sc_bundles>
